<compile_context>
chip_gen: v7x
topology: tpu7x:2x2x1
jax: 0.10.2.dev20260603
libtpu: 0.0.44.dev20260713+nightly
codegen_flags: <defaults>
</compile_context>

<pallas_src>
import functools

import jax
import jax.numpy as jnp
from jax import lax
from jax.experimental import pallas as pl
from jax.experimental.pallas import tpu as pltpu
from jax.experimental.pallas import tpu_sc as plsc

Y_VOCAB_ROWS = 1000000
HIDDEN = 32
NUM_CORES = 2
NUM_SUBCORES = 16
NW = NUM_CORES * NUM_SUBCORES

NVB = Y_VOCAB_ROWS // 128
VB_MAIN = (NVB // NW) & ~3
VB_REM = NVB - VB_MAIN * NW
VB_TAIL = Y_VOCAB_ROWS - NVB * 128


@jax.jit
def _rows_call(table_t, tail_lin):
    mesh = plsc.VectorSubcoreMesh(core_axis_name="c", subcore_axis_name="s")

    def body(tt_hbm, tail_hbm, out_hbm, tin0, tin1, tin2, tin3,
             t1a, t1b, t1c, t1d,
             hconst, dconst, si0, si1, si2, si3, so0, so1, so2, so3):
        wid = lax.axis_index("s") * NUM_CORES + lax.axis_index("c")
        iota16 = lax.iota(jnp.int32, 16)

        for d in range(16):
            for hh, h0 in enumerate((0, 16)):
                hv = h0 + ((iota16 + d) & 15)
                hconst[hh, d, :] = hv
                dconst[hh, d, :] = iota16 * HIDDEN + hv

        tins = (tin0, tin1, tin2, tin3)
        t1s = (t1a, t1b, t1c, t1d)
        sis = (si0, si1, si2, si3)
        sos = (so0, so1, so2, so3)

        def vb_of(k):
            return wid + NW * k

        def start_in(k, p):
            return pltpu.async_copy(
                tt_hbm.at[:, pl.ds(vb_of(k) * 128, 128)], tins[p], sis[p])

        def start_out(k, p):
            return pltpu.async_copy(
                t1s[p], out_hbm.at[pl.ds(vb_of(k) * 4096, 4096)], sos[p])

        def transpose_block(tin, t1):
            def d_loop(d, carry):
                for hh in (0, 1):
                    hvec = hconst[hh, d, :]
                    dvec = dconst[hh, d, :]

                    @plsc.parallel_loop(0, 8, unroll=8)
                    def _(c):
                        v = plsc.load_gather(tin, [hvec, c * 16 + iota16])
                        plsc.store_scatter(t1, [dvec + c * 512], v)
                return carry
            lax.fori_loop(0, 16, d_loop, 0)

        def wait_in(p):
            pltpu.make_async_copy(
                tt_hbm.at[:, pl.ds(0, 128)], tins[p], sis[p]).wait()

        def wait_out(p):
            pltpu.make_async_copy(
                t1s[p], out_hbm.at[pl.ds(0, 4096)], sos[p]).wait()

        for p in range(4):
            start_in(p, p)

        def loop(i, carry):
            for p in range(4):
                k = 4 * i + p
                wait_in(p)

                @pl.when(i > 0)
                def _():
                    wait_out(p)

                transpose_block(tins[p], t1s[p])

                @pl.when(k + 4 < VB_MAIN)
                def _():
                    start_in(k + 4, p)

                start_out(k, p)
            return carry

        lax.fori_loop(0, VB_MAIN // 4, loop, 0)
        for p in range(4):
            wait_out(p)

        @pl.when(wid < VB_REM)
        def _():
            vb = NVB - VB_REM + wid
            pltpu.sync_copy(tt_hbm.at[:, pl.ds(vb * 128, 128)], tin0)
            transpose_block(tin0, t1a)
            pltpu.sync_copy(t1a, out_hbm.at[pl.ds(vb * 4096, 4096)])

        @pl.when(wid == VB_REM)
        def _():
            base = NVB * 128
            pltpu.sync_copy(tail_hbm, t1a.at[pl.ds(0, VB_TAIL * HIDDEN)])
            pltpu.sync_copy(t1a.at[pl.ds(0, VB_TAIL * HIDDEN)],
                            out_hbm.at[pl.ds(base * HIDDEN, VB_TAIL * HIDDEN)])

    run = pl.kernel(
        body,
        out_type=jax.ShapeDtypeStruct((Y_VOCAB_ROWS * HIDDEN,), jnp.float32),
        mesh=mesh,
        scratch_types=[
            pltpu.VMEM((HIDDEN, 128), jnp.float32),
            pltpu.VMEM((HIDDEN, 128), jnp.float32),
            pltpu.VMEM((HIDDEN, 128), jnp.float32),
            pltpu.VMEM((HIDDEN, 128), jnp.float32),
            pltpu.VMEM((4096,), jnp.float32),
            pltpu.VMEM((4096,), jnp.float32),
            pltpu.VMEM((4096,), jnp.float32),
            pltpu.VMEM((4096,), jnp.float32),
            pltpu.VMEM((2, 16, 16), jnp.int32),
            pltpu.VMEM((2, 16, 16), jnp.int32),
            pltpu.SemaphoreType.DMA,
            pltpu.SemaphoreType.DMA,
            pltpu.SemaphoreType.DMA,
            pltpu.SemaphoreType.DMA,
            pltpu.SemaphoreType.DMA,
            pltpu.SemaphoreType.DMA,
            pltpu.SemaphoreType.DMA,
            pltpu.SemaphoreType.DMA,
        ],
        compiler_params=pltpu.CompilerParams(
            use_tc_tiling_on_sc=True, needs_layout_passes=False),
    )
    return run(table_t, tail_lin)


PAIRS_PER_W = 25
BLOCK = 4 * 8 * 8 * 128


@jax.jit
def _gather_call(y4, table_lin):
    mesh = plsc.VectorSubcoreMesh(core_axis_name="c", subcore_axis_name="s")

    def body(y_hbm, tab_hbm, out_hbm,
             idx0, idx1, rows0, rows1, tout, cconst, dconst,
             si0, si1, sg0, sg1, st):
        wid = lax.axis_index("s") * NUM_CORES + lax.axis_index("c")
        iota16 = lax.iota(jnp.int32, 16)

        idxs = (idx0, idx1)
        rows = (rows0, rows1)
        sis = (si0, si1)
        sgs = (sg0, sg1)

        def pair_of(i):
            return wid * PAIRS_PER_W + i

        def start_idx(i, p):
            pr = pair_of(i)
            return pltpu.async_copy(
                y_hbm.at[pr >> 2, :, pr & 3, :], idxs[p], sis[p])

        def start_gather(p):
            hs = []
            for c in range(8):
                hs.append(pltpu.async_copy(
                    tab_hbm.at[idxs[p].at[c]],
                    rows[p].at[pl.ds(c * 128, 128)], sgs[p]))
            return hs

        def wait_gather(hs):
            for h in hs:
                h.wait()

        def start_store(i):
            return pltpu.async_copy(
                tout, out_hbm.at[pl.ds(pair_of(i) * BLOCK, BLOCK)], st)

        for d in range(16):
            for hh, h0 in enumerate((0, 16)):
                hv = h0 + ((iota16 + d) & 15)
                cconst[hh, d, :] = hv
                dconst[hh, d, :] = ((hv >> 3) << 13) + ((hv & 7) << 7) + iota16

        def transpose_pair(rv):
            def d_loop(d, carry):
                for hh in (0, 1):
                    cvec = cconst[hh, d, :]
                    dvec = dconst[hh, d, :]

                    @plsc.parallel_loop(0, 64, unroll=8)
                    def _(k):
                        v = plsc.load_gather(rv, [k * 16 + iota16, cvec])
                        plsc.store_scatter(
                            tout,
                            [dvec + (((k >> 3) << 10) + ((k & 7) << 4))], v)
                return carry
            lax.fori_loop(0, 16, d_loop, 0)

        def wait_idx(p):
            pltpu.make_async_copy(y_hbm.at[0, :, 0, :], idxs[p], sis[p]).wait()

        def wait_gather(p):
            pltpu.make_async_copy(
                tab_hbm.at[pl.ds(0, 1024)], rows[p], sgs[p]).wait()

        def wait_store():
            pltpu.make_async_copy(tout, out_hbm.at[pl.ds(0, BLOCK)], st).wait()

        start_idx(0, 0)
        start_idx(1, 1)
        wait_idx(0)
        start_gather(0)

        def step(q, p):
            o = p ^ 1
            wait_gather(p)

            @pl.when(q + 2 < PAIRS_PER_W)
            def _():
                start_idx(q + 2, p)

            @pl.when(q + 1 < PAIRS_PER_W)
            def _():
                wait_idx(o)
                start_gather(o)

            @pl.when(q > 0)
            def _():
                wait_store()

            transpose_pair(rows[p])
            start_store(q)

        def loop(i, carry):
            step(2 * i, 0)
            step(2 * i + 1, 1)
            return carry

        lax.fori_loop(0, PAIRS_PER_W // 2, loop, 0)
        step(PAIRS_PER_W - 1, (PAIRS_PER_W - 1) & 1)
        wait_store()

    run = pl.kernel(
        body,
        out_type=jax.ShapeDtypeStruct((200 * 1024 * 4 * HIDDEN,), jnp.float32),
        mesh=mesh,
        scratch_types=[
            pltpu.VMEM((8, 128), jnp.int32),
            pltpu.VMEM((8, 128), jnp.int32),
            pltpu.VMEM((1024, HIDDEN), jnp.float32),
            pltpu.VMEM((1024, HIDDEN), jnp.float32),
            pltpu.VMEM((BLOCK,), jnp.float32),
            pltpu.VMEM((2, 16, 16), jnp.int32),
            pltpu.VMEM((2, 16, 16), jnp.int32),
            pltpu.SemaphoreType.DMA,
            pltpu.SemaphoreType.DMA,
            pltpu.SemaphoreType.DMA,
            pltpu.SemaphoreType.DMA,
            pltpu.SemaphoreType.DMA,
        ],
        compiler_params=pltpu.CompilerParams(
            use_tc_tiling_on_sc=False, needs_layout_passes=False),
    )
    return run(y4, table_lin.reshape(Y_VOCAB_ROWS, HIDDEN))


def kernel(y, table):
    S, BATCH, J = y.shape
    CB = BATCH // 128
    y4 = y.reshape(S, CB, 128, J).transpose(0, 1, 3, 2)
    tail_lin = lax.slice(table, (NVB * 128, 0), (Y_VOCAB_ROWS, HIDDEN)).reshape(-1)
    table_lin = _rows_call(table.T, tail_lin)
    out_flat = _gather_call(y4, table_lin)
    return (out_flat.reshape(S, J, 4, 8, 8, 128)
            .transpose(0, 3, 5, 1, 2, 4)
            .reshape(S, BATCH, J, HIDDEN))

# --- scband reference (transcript-rebuilt; emitter-appended) ---
"""Pipeline reference for scband-class-encoder-34557306863807 (READ-ONLY COPY).

The authoritative reference and input builder live on the scoring server;
editing this copy changes nothing except your own understanding.
"""

import jax, jax.numpy as jnp
import numpy as np

Y_VOCAB = 1000000
HIDDEN = 32

def setup_inputs(seed: int = 0) -> dict:
    key = jax.random.key(seed)
    k1, k2 = jax.random.split(key)
    y = jax.random.randint(k1, (200, 1024, 4), 0, Y_VOCAB, dtype=jnp.int64 if jax.config.jax_enable_x64 else jnp.int32)
    table = jax.random.normal(k2, (Y_VOCAB, HIDDEN), dtype=jnp.float32)
    return {"y": y, "table": table}

def reference(y, table):
    # ClassEncoder.encode: embedding lookup [seq_len, batch, y_len] -> [seq_len, batch, y_len, hidden]
    return jnp.take(table, y, axis=0)

if __name__ == "__main__":
    import jax
    _d = setup_inputs()
    print(jax.jit(kernel)(*tuple(_d.values())))

</pallas_src>

<mosaic_0001>
#map = affine_map<(d0, d1) -> (0, 0)>
#map1 = affine_map<(d0, d1) -> (0)>
module attributes {stable_mosaic.version = 14 : i64} {
  func.func @body(%arg0: i32, %arg1: i32, %arg2: memref<32x1000000xf32, #tpu.memory_space<hbm>>, %arg3: memref<2048xf32, #tpu.memory_space<hbm>>, %arg4: memref<32000000xf32, #tpu.memory_space<hbm>>, %arg5: memref<32x128xf32, #tpu.memory_space<vmem>>, %arg6: memref<32x128xf32, #tpu.memory_space<vmem>>, %arg7: memref<32x128xf32, #tpu.memory_space<vmem>>, %arg8: memref<32x128xf32, #tpu.memory_space<vmem>>, %arg9: memref<4096xf32, #tpu.memory_space<vmem>>, %arg10: memref<4096xf32, #tpu.memory_space<vmem>>, %arg11: memref<4096xf32, #tpu.memory_space<vmem>>, %arg12: memref<4096xf32, #tpu.memory_space<vmem>>, %arg13: memref<2x16x16xi32, #tpu.memory_space<vmem>>, %arg14: memref<2x16x16xi32, #tpu.memory_space<vmem>>, %arg15: memref<!tpu.dma_semaphore, #tpu.memory_space<semaphore_mem>>, %arg16: memref<!tpu.dma_semaphore, #tpu.memory_space<semaphore_mem>>, %arg17: memref<!tpu.dma_semaphore, #tpu.memory_space<semaphore_mem>>, %arg18: memref<!tpu.dma_semaphore, #tpu.memory_space<semaphore_mem>>, %arg19: memref<!tpu.dma_semaphore, #tpu.memory_space<semaphore_mem>>, %arg20: memref<!tpu.dma_semaphore, #tpu.memory_space<semaphore_mem>>, %arg21: memref<!tpu.dma_semaphore, #tpu.memory_space<semaphore_mem>>, %arg22: memref<!tpu.dma_semaphore, #tpu.memory_space<semaphore_mem>>) attributes {dimension_semantics = [#tpu.dimension_semantics<core_parallel>, #tpu.dimension_semantics<subcore_parallel>], iteration_bounds = array<i64: 2, 16>, scalar_prefetch = 0 : i64, scratch_operands = 18 : i64, tpu.core_type = #tpu.core_type<sc_vector_subcore>, window_params = [{transform_indices = #map}, {transform_indices = #map1}, {transform_indices = #map1}]} {
    %mul3A = arith.constant 2 : i32
    %mul3A_0 = arith.muli %arg1, %mul3A : i32
    %add3A = arith.addi %mul3A_0, %arg0 : i32
    %iota3A = tpu.iota {dimensions = array<i32: 0>} : vector<16xi32>
    %add3A_1 = arith.constant 0 : i32
    %add3A_2 = vector.broadcast %add3A_1 : i32 to vector<16xi32>
    %add3A_3 = arith.addi %iota3A, %add3A_2 : vector<16xi32>
    %and3A = arith.constant 15 : i32
    %and3A_4 = vector.broadcast %and3A : i32 to vector<16xi32>
    %and3A_5 = arith.andi %add3A_3, %and3A_4 : vector<16xi32>
    %add3A_6 = arith.constant 0 : i32
    %add3A_7 = vector.broadcast %add3A_6 : i32 to vector<16xi32>
    %add3A_8 = arith.addi %add3A_7, %and3A_5 : vector<16xi32>
    %swap3A = arith.constant 0 : i32
    %swap3A_9 = arith.constant 0 : i32
    %swap3A_10 = arith.index_cast %swap3A : i32 to index
    %swap3A_11 = arith.index_cast %swap3A_9 : i32 to index
    %swap3A_12 = arith.constant 0 : index
    %swap3A_13 = tpu.vector_load %arg13[%swap3A_10, %swap3A_11, %swap3A_12] {strides = array<i32>} : memref<2x16x16xi32, #tpu.memory_space<vmem>>, vector<16xi32>,
    tpu.vector_store %arg13[%swap3A_10, %swap3A_11, %swap3A_12], %add3A_8 {strides = array<i32>} : memref<2x16x16xi32, #tpu.memory_space<vmem>>, vector<16xi32>,
    %mul3A_14 = arith.constant 32 : i32
    %mul3A_15 = vector.broadcast %mul3A_14 : i32 to vector<16xi32>
    %mul3A_16 = arith.muli %iota3A, %mul3A_15 : vector<16xi32>
    %add3A_17 = arith.addi %mul3A_16, %add3A_8 : vector<16xi32>
    %swap3A_18 = arith.constant 0 : i32
    %swap3A_19 = arith.constant 0 : i32
    %swap3A_20 = arith.index_cast %swap3A_18 : i32 to index
    %swap3A_21 = arith.index_cast %swap3A_19 : i32 to index
    %swap3A_22 = arith.constant 0 : index
    %swap3A_23 = tpu.vector_load %arg14[%swap3A_20, %swap3A_21, %swap3A_22] {strides = array<i32>} : memref<2x16x16xi32, #tpu.memory_space<vmem>>, vector<16xi32>,
    tpu.vector_store %arg14[%swap3A_20, %swap3A_21, %swap3A_22], %add3A_17 {strides = array<i32>} : memref<2x16x16xi32, #tpu.memory_space<vmem>>, vector<16xi32>,
    %add3A_24 = arith.constant 0 : i32
    %add3A_25 = vector.broadcast %add3A_24 : i32 to vector<16xi32>
    %add3A_26 = arith.addi %iota3A, %add3A_25 : vector<16xi32>
    %and3A_27 = arith.constant 15 : i32
    %and3A_28 = vector.broadcast %and3A_27 : i32 to vector<16xi32>
    %and3A_29 = arith.andi %add3A_26, %and3A_28 : vector<16xi32>
    %add3A_30 = arith.constant 16 : i32
    %add3A_31 = vector.broadcast %add3A_30 : i32 to vector<16xi32>
    %add3A_32 = arith.addi %add3A_31, %and3A_29 : vector<16xi32>
    %swap3A_33 = arith.constant 1 : i32
    %swap3A_34 = arith.constant 0 : i32
    %swap3A_35 = arith.index_cast %swap3A_33 : i32 to index
    %swap3A_36 = arith.index_cast %swap3A_34 : i32 to index
    %swap3A_37 = arith.constant 0 : index
    %swap3A_38 = tpu.vector_load %arg13[%swap3A_35, %swap3A_36, %swap3A_37] {strides = array<i32>} : memref<2x16x16xi32, #tpu.memory_space<vmem>>, vector<16xi32>,
    tpu.vector_store %arg13[%swap3A_35, %swap3A_36, %swap3A_37], %add3A_32 {strides = array<i32>} : memref<2x16x16xi32, #tpu.memory_space<vmem>>, vector<16xi32>,
    %mul3A_39 = arith.constant 32 : i32
    %mul3A_40 = vector.broadcast %mul3A_39 : i32 to vector<16xi32>
    %mul3A_41 = arith.muli %iota3A, %mul3A_40 : vector<16xi32>
    %add3A_42 = arith.addi %mul3A_41, %add3A_32 : vector<16xi32>
    %swap3A_43 = arith.constant 1 : i32
    %swap3A_44 = arith.constant 0 : i32
    %swap3A_45 = arith.index_cast %swap3A_43 : i32 to index
    %swap3A_46 = arith.index_cast %swap3A_44 : i32 to index
    %swap3A_47 = arith.constant 0 : index
    %swap3A_48 = tpu.vector_load %arg14[%swap3A_45, %swap3A_46, %swap3A_47] {strides = array<i32>} : memref<2x16x16xi32, #tpu.memory_space<vmem>>, vector<16xi32>,
    tpu.vector_store %arg14[%swap3A_45, %swap3A_46, %swap3A_47], %add3A_42 {strides = array<i32>} : memref<2x16x16xi32, #tpu.memory_space<vmem>>, vector<16xi32>,
    %add3A_49 = arith.constant 1 : i32
    %add3A_50 = vector.broadcast %add3A_49 : i32 to vector<16xi32>
    %add3A_51 = arith.addi %iota3A, %add3A_50 : vector<16xi32>
    %and3A_52 = arith.constant 15 : i32
    %and3A_53 = vector.broadcast %and3A_52 : i32 to vector<16xi32>
    %and3A_54 = arith.andi %add3A_51, %and3A_53 : vector<16xi32>
    %add3A_55 = arith.constant 0 : i32
    %add3A_56 = vector.broadcast %add3A_55 : i32 to vector<16xi32>
    %add3A_57 = arith.addi %add3A_56, %and3A_54 : vector<16xi32>
    %swap3A_58 = arith.constant 0 : i32
    %swap3A_59 = arith.constant 1 : i32
    %swap3A_60 = arith.index_cast %swap3A_58 : i32 to index
    %swap3A_61 = arith.index_cast %swap3A_59 : i32 to index
    %swap3A_62 = arith.constant 0 : index
    %swap3A_63 = tpu.vector_load %arg13[%swap3A_60, %swap3A_61, %swap3A_62] {strides = array<i32>} : memref<2x16x16xi32, #tpu.memory_space<vmem>>, vector<16xi32>,
    tpu.vector_store %arg13[%swap3A_60, %swap3A_61, %swap3A_62], %add3A_57 {strides = array<i32>} : memref<2x16x16xi32, #tpu.memory_space<vmem>>, vector<16xi32>,
    %mul3A_64 = arith.constant 32 : i32
    %mul3A_65 = vector.broadcast %mul3A_64 : i32 to vector<16xi32>
    %mul3A_66 = arith.muli %iota3A, %mul3A_65 : vector<16xi32>
    %add3A_67 = arith.addi %mul3A_66, %add3A_57 : vector<16xi32>
    %swap3A_68 = arith.constant 0 : i32
    %swap3A_69 = arith.constant 1 : i32
    %swap3A_70 = arith.index_cast %swap3A_68 : i32 to index
    %swap3A_71 = arith.index_cast %swap3A_69 : i32 to index
    %swap3A_72 = arith.constant 0 : index
    %swap3A_73 = tpu.vector_load %arg14[%swap3A_70, %swap3A_71, %swap3A_72] {strides = array<i32>} : memref<2x16x16xi32, #tpu.memory_space<vmem>>, vector<16xi32>,
    tpu.vector_store %arg14[%swap3A_70, %swap3A_71, %swap3A_72], %add3A_67 {strides = array<i32>} : memref<2x16x16xi32, #tpu.memory_space<vmem>>, vector<16xi32>,
    %add3A_74 = arith.constant 1 : i32
    %add3A_75 = vector.broadcast %add3A_74 : i32 to vector<16xi32>
    %add3A_76 = arith.addi %iota3A, %add3A_75 : vector<16xi32>
    %and3A_77 = arith.constant 15 : i32
    %and3A_78 = vector.broadcast %and3A_77 : i32 to vector<16xi32>
    %and3A_79 = arith.andi %add3A_76, %and3A_78 : vector<16xi32>
    %add3A_80 = arith.constant 16 : i32
    %add3A_81 = vector.broadcast %add3A_80 : i32 to vector<16xi32>
    %add3A_82 = arith.addi %add3A_81, %and3A_79 : vector<16xi32>
    %swap3A_83 = arith.constant 1 : i32
    %swap3A_84 = arith.constant 1 : i32
    %swap3A_85 = arith.index_cast %swap3A_83 : i32 to index
    %swap3A_86 = arith.index_cast %swap3A_84 : i32 to index
    %swap3A_87 = arith.constant 0 : index
    %swap3A_88 = tpu.vector_load %arg13[%swap3A_85, %swap3A_86, %swap3A_87] {strides = array<i32>} : memref<2x16x16xi32, #tpu.memory_space<vmem>>, vector<16xi32>,
    tpu.vector_store %arg13[%swap3A_85, %swap3A_86, %swap3A_87], %add3A_82 {strides = array<i32>} : memref<2x16x16xi32, #tpu.memory_space<vmem>>, vector<16xi32>,
    %mul3A_89 = arith.constant 32 : i32
    %mul3A_90 = vector.broadcast %mul3A_89 : i32 to vector<16xi32>
    %mul3A_91 = arith.muli %iota3A, %mul3A_90 : vector<16xi32>
    %add3A_92 = arith.addi %mul3A_91, %add3A_82 : vector<16xi32>
    %swap3A_93 = arith.constant 1 : i32
    %swap3A_94 = arith.constant 1 : i32
    %swap3A_95 = arith.index_cast %swap3A_93 : i32 to index
    %swap3A_96 = arith.index_cast %swap3A_94 : i32 to index
    %swap3A_97 = arith.constant 0 : index
    %swap3A_98 = tpu.vector_load %arg14[%swap3A_95, %swap3A_96, %swap3A_97] {strides = array<i32>} : memref<2x16x16xi32, #tpu.memory_space<vmem>>, vector<16xi32>,
    tpu.vector_store %arg14[%swap3A_95, %swap3A_96, %swap3A_97], %add3A_92 {strides = array<i32>} : memref<2x16x16xi32, #tpu.memory_space<vmem>>, vector<16xi32>,
    %add3A_99 = arith.constant 2 : i32
    %add3A_100 = vector.broadcast %add3A_99 : i32 to vector<16xi32>
    %add3A_101 = arith.addi %iota3A, %add3A_100 : vector<16xi32>
    %and3A_102 = arith.constant 15 : i32
    %and3A_103 = vector.broadcast %and3A_102 : i32 to vector<16xi32>
    %and3A_104 = arith.andi %add3A_101, %and3A_103 : vector<16xi32>
    %add3A_105 = arith.constant 0 : i32
    %add3A_106 = vector.broadcast %add3A_105 : i32 to vector<16xi32>
    %add3A_107 = arith.addi %add3A_106, %and3A_104 : vector<16xi32>
    %swap3A_108 = arith.constant 0 : i32
    %swap3A_109 = arith.constant 2 : i32
    %swap3A_110 = arith.index_cast %swap3A_108 : i32 to index
    %swap3A_111 = arith.index_cast %swap3A_109 : i32 to index
    %swap3A_112 = arith.constant 0 : index
    %swap3A_113 = tpu.vector_load %arg13[%swap3A_110, %swap3A_111, %swap3A_112] {strides = array<i32>} : memref<2x16x16xi32, #tpu.memory_space<vmem>>, vector<16xi32>,
    tpu.vector_store %arg13[%swap3A_110, %swap3A_111, %swap3A_112], %add3A_107 {strides = array<i32>} : memref<2x16x16xi32, #tpu.memory_space<vmem>>, vector<16xi32>,
    %mul3A_114 = arith.constant 32 : i32
    %mul3A_115 = vector.broadcast %mul3A_114 : i32 to vector<16xi32>
    %mul3A_116 = arith.muli %iota3A, %mul3A_115 : vector<16xi32>
    %add3A_117 = arith.addi %mul3A_116, %add3A_107 : vector<16xi32>
    %swap3A_118 = arith.constant 0 : i32
    %swap3A_119 = arith.constant 2 : i32
    %swap3A_120 = arith.index_cast %swap3A_118 : i32 to index
    %swap3A_121 = arith.index_cast %swap3A_119 : i32 to index
    %swap3A_122 = arith.constant 0 : index
    %swap3A_123 = tpu.vector_load %arg14[%swap3A_120, %swap3A_121, %swap3A_122] {strides = array<i32>} : memref<2x16x16xi32, #tpu.memory_space<vmem>>, vector<16xi32>,
    tpu.vector_store %arg14[%swap3A_120, %swap3A_121, %swap3A_122], %add3A_117 {strides = array<i32>} : memref<2x16x16xi32, #tpu.memory_space<vmem>>, vector<16xi32>,
    %add3A_124 = arith.constant 2 : i32
    %add3A_125 = vector.broadcast %add3A_124 : i32 to vector<16xi32>
    %add3A_126 = arith.addi %iota3A, %add3A_125 : vector<16xi32>
    %and3A_127 = arith.constant 15 : i32
    %and3A_128 = vector.broadcast %and3A_127 : i32 to vector<16xi32>
    %and3A_129 = arith.andi %add3A_126, %and3A_128 : vector<16xi32>
    %add3A_130 = arith.constant 16 : i32
    %add3A_131 = vector.broadcast %add3A_130 : i32 to vector<16xi32>
    %add3A_132 = arith.addi %add3A_131, %and3A_129 : vector<16xi32>
    %swap3A_133 = arith.constant 1 : i32
    %swap3A_134 = arith.constant 2 : i32
    %swap3A_135 = arith.index_cast %swap3A_133 : i32 to index
    %swap3A_136 = arith.index_cast %swap3A_134 : i32 to index
    %swap3A_137 = arith.constant 0 : index
    %swap3A_138 = tpu.vector_load %arg13[%swap3A_135, %swap3A_136, %swap3A_137] {strides = array<i32>} : memref<2x16x16xi32, #tpu.memory_space<vmem>>, vector<16xi32>,
    tpu.vector_store %arg13[%swap3A_135, %swap3A_136, %swap3A_137], %add3A_132 {strides = array<i32>} : memref<2x16x16xi32, #tpu.memory_space<vmem>>, vector<16xi32>,
    %mul3A_139 = arith.constant 32 : i32
    %mul3A_140 = vector.broadcast %mul3A_139 : i32 to vector<16xi32>
    %mul3A_141 = arith.muli %iota3A, %mul3A_140 : vector<16xi32>
    %add3A_142 = arith.addi %mul3A_141, %add3A_132 : vector<16xi32>
    %swap3A_143 = arith.constant 1 : i32
    %swap3A_144 = arith.constant 2 : i32
    %swap3A_145 = arith.index_cast %swap3A_143 : i32 to index
    %swap3A_146 = arith.index_cast %swap3A_144 : i32 to index
    %swap3A_147 = arith.constant 0 : index
    %swap3A_148 = tpu.vector_load %arg14[%swap3A_145, %swap3A_146, %swap3A_147] {strides = array<i32>} : memref<2x16x16xi32, #tpu.memory_space<vmem>>, vector<16xi32>,
    tpu.vector_store %arg14[%swap3A_145, %swap3A_146, %swap3A_147], %add3A_142 {strides = array<i32>} : memref<2x16x16xi32, #tpu.memory_space<vmem>>, vector<16xi32>,
    %add3A_149 = arith.constant 3 : i32
    %add3A_150 = vector.broadcast %add3A_149 : i32 to vector<16xi32>
    %add3A_151 = arith.addi %iota3A, %add3A_150 : vector<16xi32>
    %and3A_152 = arith.constant 15 : i32
    %and3A_153 = vector.broadcast %and3A_152 : i32 to vector<16xi32>
    %and3A_154 = arith.andi %add3A_151, %and3A_153 : vector<16xi32>
    %add3A_155 = arith.constant 0 : i32
    %add3A_156 = vector.broadcast %add3A_155 : i32 to vector<16xi32>
    %add3A_157 = arith.addi %add3A_156, %and3A_154 : vector<16xi32>
    %swap3A_158 = arith.constant 0 : i32
    %swap3A_159 = arith.constant 3 : i32
    %swap3A_160 = arith.index_cast %swap3A_158 : i32 to index
    %swap3A_161 = arith.index_cast %swap3A_159 : i32 to index
    %swap3A_162 = arith.constant 0 : index
    %swap3A_163 = tpu.vector_load %arg13[%swap3A_160, %swap3A_161, %swap3A_162] {strides = array<i32>} : memref<2x16x16xi32, #tpu.memory_space<vmem>>, vector<16xi32>,
    tpu.vector_store %arg13[%swap3A_160, %swap3A_161, %swap3A_162], %add3A_157 {strides = array<i32>} : memref<2x16x16xi32, #tpu.memory_space<vmem>>, vector<16xi32>,
    %mul3A_164 = arith.constant 32 : i32
    %mul3A_165 = vector.broadcast %mul3A_164 : i32 to vector<16xi32>
    %mul3A_166 = arith.muli %iota3A, %mul3A_165 : vector<16xi32>
    %add3A_167 = arith.addi %mul3A_166, %add3A_157 : vector<16xi32>
    %swap3A_168 = arith.constant 0 : i32
    %swap3A_169 = arith.constant 3 : i32
    %swap3A_170 = arith.index_cast %swap3A_168 : i32 to index
    %swap3A_171 = arith.index_cast %swap3A_169 : i32 to index
    %swap3A_172 = arith.constant 0 : index
    %swap3A_173 = tpu.vector_load %arg14[%swap3A_170, %swap3A_171, %swap3A_172] {strides = array<i32>} : memref<2x16x16xi32, #tpu.memory_space<vmem>>, vector<16xi32>,
    tpu.vector_store %arg14[%swap3A_170, %swap3A_171, %swap3A_172], %add3A_167 {strides = array<i32>} : memref<2x16x16xi32, #tpu.memory_space<vmem>>, vector<16xi32>,
    %add3A_174 = arith.constant 3 : i32
    %add3A_175 = vector.broadcast %add3A_174 : i32 to vector<16xi32>
    %add3A_176 = arith.addi %iota3A, %add3A_175 : vector<16xi32>
    %and3A_177 = arith.constant 15 : i32
    %and3A_178 = vector.broadcast %and3A_177 : i32 to vector<16xi32>
    %and3A_179 = arith.andi %add3A_176, %and3A_178 : vector<16xi32>
    %add3A_180 = arith.constant 16 : i32
    %add3A_181 = vector.broadcast %add3A_180 : i32 to vector<16xi32>
    %add3A_182 = arith.addi %add3A_181, %and3A_179 : vector<16xi32>
    %swap3A_183 = arith.constant 1 : i32
    %swap3A_184 = arith.constant 3 : i32
    %swap3A_185 = arith.index_cast %swap3A_183 : i32 to index
    %swap3A_186 = arith.index_cast %swap3A_184 : i32 to index
    %swap3A_187 = arith.constant 0 : index
    %swap3A_188 = tpu.vector_load %arg13[%swap3A_185, %swap3A_186, %swap3A_187] {strides = array<i32>} : memref<2x16x16xi32, #tpu.memory_space<vmem>>, vector<16xi32>,
    tpu.vector_store %arg13[%swap3A_185, %swap3A_186, %swap3A_187], %add3A_182 {strides = array<i32>} : memref<2x16x16xi32, #tpu.memory_space<vmem>>, vector<16xi32>,
    %mul3A_189 = arith.constant 32 : i32
    %mul3A_190 = vector.broadcast %mul3A_189 : i32 to vector<16xi32>
    %mul3A_191 = arith.muli %iota3A, %mul3A_190 : vector<16xi32>
    %add3A_192 = arith.addi %mul3A_191, %add3A_182 : vector<16xi32>
    %swap3A_193 = arith.constant 1 : i32
    %swap3A_194 = arith.constant 3 : i32
    %swap3A_195 = arith.index_cast %swap3A_193 : i32 to index
    %swap3A_196 = arith.index_cast %swap3A_194 : i32 to index
    %swap3A_197 = arith.constant 0 : index
    %swap3A_198 = tpu.vector_load %arg14[%swap3A_195, %swap3A_196, %swap3A_197] {strides = array<i32>} : memref<2x16x16xi32, #tpu.memory_space<vmem>>, vector<16xi32>,
    tpu.vector_store %arg14[%swap3A_195, %swap3A_196, %swap3A_197], %add3A_192 {strides = array<i32>} : memref<2x16x16xi32, #tpu.memory_space<vmem>>, vector<16xi32>,
    %add3A_199 = arith.constant 4 : i32
    %add3A_200 = vector.broadcast %add3A_199 : i32 to vector<16xi32>
    %add3A_201 = arith.addi %iota3A, %add3A_200 : vector<16xi32>
    %and3A_202 = arith.constant 15 : i32
    %and3A_203 = vector.broadcast %and3A_202 : i32 to vector<16xi32>
    %and3A_204 = arith.andi %add3A_201, %and3A_203 : vector<16xi32>
    %add3A_205 = arith.constant 0 : i32
    %add3A_206 = vector.broadcast %add3A_205 : i32 to vector<16xi32>
    %add3A_207 = arith.addi %add3A_206, %and3A_204 : vector<16xi32>
    %swap3A_208 = arith.constant 0 : i32
    %swap3A_209 = arith.constant 4 : i32
    %swap3A_210 = arith.index_cast %swap3A_208 : i32 to index
    %swap3A_211 = arith.index_cast %swap3A_209 : i32 to index
    %swap3A_212 = arith.constant 0 : index
    %swap3A_213 = tpu.vector_load %arg13[%swap3A_210, %swap3A_211, %swap3A_212] {strides = array<i32>} : memref<2x16x16xi32, #tpu.memory_space<vmem>>, vector<16xi32>,
    tpu.vector_store %arg13[%swap3A_210, %swap3A_211, %swap3A_212], %add3A_207 {strides = array<i32>} : memref<2x16x16xi32, #tpu.memory_space<vmem>>, vector<16xi32>,
    %mul3A_214 = arith.constant 32 : i32
    %mul3A_215 = vector.broadcast %mul3A_214 : i32 to vector<16xi32>
    %mul3A_216 = arith.muli %iota3A, %mul3A_215 : vector<16xi32>
    %add3A_217 = arith.addi %mul3A_216, %add3A_207 : vector<16xi32>
    %swap3A_218 = arith.constant 0 : i32
    %swap3A_219 = arith.constant 4 : i32
    %swap3A_220 = arith.index_cast %swap3A_218 : i32 to index
    %swap3A_221 = arith.index_cast %swap3A_219 : i32 to index
    %swap3A_222 = arith.constant 0 : index
    %swap3A_223 = tpu.vector_load %arg14[%swap3A_220, %swap3A_221, %swap3A_222] {strides = array<i32>} : memref<2x16x16xi32, #tpu.memory_space<vmem>>, vector<16xi32>,
    tpu.vector_store %arg14[%swap3A_220, %swap3A_221, %swap3A_222], %add3A_217 {strides = array<i32>} : memref<2x16x16xi32, #tpu.memory_space<vmem>>, vector<16xi32>,
    %add3A_224 = arith.constant 4 : i32
    %add3A_225 = vector.broadcast %add3A_224 : i32 to vector<16xi32>
    %add3A_226 = arith.addi %iota3A, %add3A_225 : vector<16xi32>
    %and3A_227 = arith.constant 15 : i32
    %and3A_228 = vector.broadcast %and3A_227 : i32 to vector<16xi32>
    %and3A_229 = arith.andi %add3A_226, %and3A_228 : vector<16xi32>
    %add3A_230 = arith.constant 16 : i32
    %add3A_231 = vector.broadcast %add3A_230 : i32 to vector<16xi32>
    %add3A_232 = arith.addi %add3A_231, %and3A_229 : vector<16xi32>
    %swap3A_233 = arith.constant 1 : i32
    %swap3A_234 = arith.constant 4 : i32
    %swap3A_235 = arith.index_cast %swap3A_233 : i32 to index
    %swap3A_236 = arith.index_cast %swap3A_234 : i32 to index
    %swap3A_237 = arith.constant 0 : index
    %swap3A_238 = tpu.vector_load %arg13[%swap3A_235, %swap3A_236, %swap3A_237] {strides = array<i32>} : memref<2x16x16xi32, #tpu.memory_space<vmem>>, vector<16xi32>,
    tpu.vector_store %arg13[%swap3A_235, %swap3A_236, %swap3A_237], %add3A_232 {strides = array<i32>} : memref<2x16x16xi32, #tpu.memory_space<vmem>>, vector<16xi32>,
    %mul3A_239 = arith.constant 32 : i32
    %mul3A_240 = vector.broadcast %mul3A_239 : i32 to vector<16xi32>
    %mul3A_241 = arith.muli %iota3A, %mul3A_240 : vector<16xi32>
    %add3A_242 = arith.addi %mul3A_241, %add3A_232 : vector<16xi32>
    %swap3A_243 = arith.constant 1 : i32
    %swap3A_244 = arith.constant 4 : i32
    %swap3A_245 = arith.index_cast %swap3A_243 : i32 to index
    %swap3A_246 = arith.index_cast %swap3A_244 : i32 to index
    %swap3A_247 = arith.constant 0 : index
    %swap3A_248 = tpu.vector_load %arg14[%swap3A_245, %swap3A_246, %swap3A_247] {strides = array<i32>} : memref<2x16x16xi32, #tpu.memory_space<vmem>>, vector<16xi32>,
    tpu.vector_store %arg14[%swap3A_245, %swap3A_246, %swap3A_247], %add3A_242 {strides = array<i32>} : memref<2x16x16xi32, #tpu.memory_space<vmem>>, vector<16xi32>,
    %add3A_249 = arith.constant 5 : i32
    %add3A_250 = vector.broadcast %add3A_249 : i32 to vector<16xi32>
    %add3A_251 = arith.addi %iota3A, %add3A_250 : vector<16xi32>
    %and3A_252 = arith.constant 15 : i32
    %and3A_253 = vector.broadcast %and3A_252 : i32 to vector<16xi32>
    %and3A_254 = arith.andi %add3A_251, %and3A_253 : vector<16xi32>
    %add3A_255 = arith.constant 0 : i32
    %add3A_256 = vector.broadcast %add3A_255 : i32 to vector<16xi32>
    %add3A_257 = arith.addi %add3A_256, %and3A_254 : vector<16xi32>
    %swap3A_258 = arith.constant 0 : i32
    %swap3A_259 = arith.constant 5 : i32
    %swap3A_260 = arith.index_cast %swap3A_258 : i32 to index
    %swap3A_261 = arith.index_cast %swap3A_259 : i32 to index
    %swap3A_262 = arith.constant 0 : index
    %swap3A_263 = tpu.vector_load %arg13[%swap3A_260, %swap3A_261, %swap3A_262] {strides = array<i32>} : memref<2x16x16xi32, #tpu.memory_space<vmem>>, vector<16xi32>,
    tpu.vector_store %arg13[%swap3A_260, %swap3A_261, %swap3A_262], %add3A_257 {strides = array<i32>} : memref<2x16x16xi32, #tpu.memory_space<vmem>>, vector<16xi32>,
    %mul3A_264 = arith.constant 32 : i32
    %mul3A_265 = vector.broadcast %mul3A_264 : i32 to vector<16xi32>
    %mul3A_266 = arith.muli %iota3A, %mul3A_265 : vector<16xi32>
    %add3A_267 = arith.addi %mul3A_266, %add3A_257 : vector<16xi32>
    %swap3A_268 = arith.constant 0 : i32
    %swap3A_269 = arith.constant 5 : i32
    %swap3A_270 = arith.index_cast %swap3A_268 : i32 to index
    %swap3A_271 = arith.index_cast %swap3A_269 : i32 to index
    %swap3A_272 = arith.constant 0 : index
    %swap3A_273 = tpu.vector_load %arg14[%swap3A_270, %swap3A_271, %swap3A_272] {strides = array<i32>} : memref<2x16x16xi32, #tpu.memory_space<vmem>>, vector<16xi32>,
    tpu.vector_store %arg14[%swap3A_270, %swap3A_271, %swap3A_272], %add3A_267 {strides = array<i32>} : memref<2x16x16xi32, #tpu.memory_space<vmem>>, vector<16xi32>,
    %add3A_274 = arith.constant 5 : i32
    %add3A_275 = vector.broadcast %add3A_274 : i32 to vector<16xi32>
    %add3A_276 = arith.addi %iota3A, %add3A_275 : vector<16xi32>
    %and3A_277 = arith.constant 15 : i32
    %and3A_278 = vector.broadcast %and3A_277 : i32 to vector<16xi32>
    %and3A_279 = arith.andi %add3A_276, %and3A_278 : vector<16xi32>
    %add3A_280 = arith.constant 16 : i32
    %add3A_281 = vector.broadcast %add3A_280 : i32 to vector<16xi32>
    %add3A_282 = arith.addi %add3A_281, %and3A_279 : vector<16xi32>
    %swap3A_283 = arith.constant 1 : i32
    %swap3A_284 = arith.constant 5 : i32
    %swap3A_285 = arith.index_cast %swap3A_283 : i32 to index
    %swap3A_286 = arith.index_cast %swap3A_284 : i32 to index
    %swap3A_287 = arith.constant 0 : index
    %swap3A_288 = tpu.vector_load %arg13[%swap3A_285, %swap3A_286, %swap3A_287] {strides = array<i32>} : memref<2x16x16xi32, #tpu.memory_space<vmem>>, vector<16xi32>,
    tpu.vector_store %arg13[%swap3A_285, %swap3A_286, %swap3A_287], %add3A_282 {strides = array<i32>} : memref<2x16x16xi32, #tpu.memory_space<vmem>>, vector<16xi32>,
    %mul3A_289 = arith.constant 32 : i32
    %mul3A_290 = vector.broadcast %mul3A_289 : i32 to vector<16xi32>
    %mul3A_291 = arith.muli %iota3A, %mul3A_290 : vector<16xi32>
    %add3A_292 = arith.addi %mul3A_291, %add3A_282 : vector<16xi32>
    %swap3A_293 = arith.constant 1 : i32
    %swap3A_294 = arith.constant 5 : i32
    %swap3A_295 = arith.index_cast %swap3A_293 : i32 to index
    %swap3A_296 = arith.index_cast %swap3A_294 : i32 to index
    %swap3A_297 = arith.constant 0 : index
    %swap3A_298 = tpu.vector_load %arg14[%swap3A_295, %swap3A_296, %swap3A_297] {strides = array<i32>} : memref<2x16x16xi32, #tpu.memory_space<vmem>>, vector<16xi32>,
    tpu.vector_store %arg14[%swap3A_295, %swap3A_296, %swap3A_297], %add3A_292 {strides = array<i32>} : memref<2x16x16xi32, #tpu.memory_space<vmem>>, vector<16xi32>,
    %add3A_299 = arith.constant 6 : i32
    %add3A_300 = vector.broadcast %add3A_299 : i32 to vector<16xi32>
    %add3A_301 = arith.addi %iota3A, %add3A_300 : vector<16xi32>
    %and3A_302 = arith.constant 15 : i32
    %and3A_303 = vector.broadcast %and3A_302 : i32 to vector<16xi32>
    %and3A_304 = arith.andi %add3A_301, %and3A_303 : vector<16xi32>
    %add3A_305 = arith.constant 0 : i32
    %add3A_306 = vector.broadcast %add3A_305 : i32 to vector<16xi32>
    %add3A_307 = arith.addi %add3A_306, %and3A_304 : vector<16xi32>
    %swap3A_308 = arith.constant 0 : i32
    %swap3A_309 = arith.constant 6 : i32
    %swap3A_310 = arith.index_cast %swap3A_308 : i32 to index
    %swap3A_311 = arith.index_cast %swap3A_309 : i32 to index
    %swap3A_312 = arith.constant 0 : index
    %swap3A_313 = tpu.vector_load %arg13[%swap3A_310, %swap3A_311, %swap3A_312] {strides = array<i32>} : memref<2x16x16xi32, #tpu.memory_space<vmem>>, vector<16xi32>,
    tpu.vector_store %arg13[%swap3A_310, %swap3A_311, %swap3A_312], %add3A_307 {strides = array<i32>} : memref<2x16x16xi32, #tpu.memory_space<vmem>>, vector<16xi32>,
    %mul3A_314 = arith.constant 32 : i32
    %mul3A_315 = vector.broadcast %mul3A_314 : i32 to vector<16xi32>
    %mul3A_316 = arith.muli %iota3A, %mul3A_315 : vector<16xi32>
    %add3A_317 = arith.addi %mul3A_316, %add3A_307 : vector<16xi32>
    %swap3A_318 = arith.constant 0 : i32
    %swap3A_319 = arith.constant 6 : i32
    %swap3A_320 = arith.index_cast %swap3A_318 : i32 to index
    %swap3A_321 = arith.index_cast %swap3A_319 : i32 to index
    %swap3A_322 = arith.constant 0 : index
    %swap3A_323 = tpu.vector_load %arg14[%swap3A_320, %swap3A_321, %swap3A_322] {strides = array<i32>} : memref<2x16x16xi32, #tpu.memory_space<vmem>>, vector<16xi32>,
    tpu.vector_store %arg14[%swap3A_320, %swap3A_321, %swap3A_322], %add3A_317 {strides = array<i32>} : memref<2x16x16xi32, #tpu.memory_space<vmem>>, vector<16xi32>,
    %add3A_324 = arith.constant 6 : i32
    %add3A_325 = vector.broadcast %add3A_324 : i32 to vector<16xi32>
    %add3A_326 = arith.addi %iota3A, %add3A_325 : vector<16xi32>
    %and3A_327 = arith.constant 15 : i32
    %and3A_328 = vector.broadcast %and3A_327 : i32 to vector<16xi32>
    %and3A_329 = arith.andi %add3A_326, %and3A_328 : vector<16xi32>
    %add3A_330 = arith.constant 16 : i32
    %add3A_331 = vector.broadcast %add3A_330 : i32 to vector<16xi32>
    %add3A_332 = arith.addi %add3A_331, %and3A_329 : vector<16xi32>
    %swap3A_333 = arith.constant 1 : i32
    %swap3A_334 = arith.constant 6 : i32
    %swap3A_335 = arith.index_cast %swap3A_333 : i32 to index
    %swap3A_336 = arith.index_cast %swap3A_334 : i32 to index
    %swap3A_337 = arith.constant 0 : index
    %swap3A_338 = tpu.vector_load %arg13[%swap3A_335, %swap3A_336, %swap3A_337] {strides = array<i32>} : memref<2x16x16xi32, #tpu.memory_space<vmem>>, vector<16xi32>,
    tpu.vector_store %arg13[%swap3A_335, %swap3A_336, %swap3A_337], %add3A_332 {strides = array<i32>} : memref<2x16x16xi32, #tpu.memory_space<vmem>>, vector<16xi32>,
    %mul3A_339 = arith.constant 32 : i32
    %mul3A_340 = vector.broadcast %mul3A_339 : i32 to vector<16xi32>
    %mul3A_341 = arith.muli %iota3A, %mul3A_340 : vector<16xi32>
    %add3A_342 = arith.addi %mul3A_341, %add3A_332 : vector<16xi32>
    %swap3A_343 = arith.constant 1 : i32
    %swap3A_344 = arith.constant 6 : i32
    %swap3A_345 = arith.index_cast %swap3A_343 : i32 to index
    %swap3A_346 = arith.index_cast %swap3A_344 : i32 to index
    %swap3A_347 = arith.constant 0 : index
    %swap3A_348 = tpu.vector_load %arg14[%swap3A_345, %swap3A_346, %swap3A_347] {strides = array<i32>} : memref<2x16x16xi32, #tpu.memory_space<vmem>>, vector<16xi32>,
    tpu.vector_store %arg14[%swap3A_345, %swap3A_346, %swap3A_347], %add3A_342 {strides = array<i32>} : memref<2x16x16xi32, #tpu.memory_space<vmem>>, vector<16xi32>,
    %add3A_349 = arith.constant 7 : i32
    %add3A_350 = vector.broadcast %add3A_349 : i32 to vector<16xi32>
    %add3A_351 = arith.addi %iota3A, %add3A_350 : vector<16xi32>
    %and3A_352 = arith.constant 15 : i32
    %and3A_353 = vector.broadcast %and3A_352 : i32 to vector<16xi32>
    %and3A_354 = arith.andi %add3A_351, %and3A_353 : vector<16xi32>
    %add3A_355 = arith.constant 0 : i32
    %add3A_356 = vector.broadcast %add3A_355 : i32 to vector<16xi32>
    %add3A_357 = arith.addi %add3A_356, %and3A_354 : vector<16xi32>
    %swap3A_358 = arith.constant 0 : i32
    %swap3A_359 = arith.constant 7 : i32
    %swap3A_360 = arith.index_cast %swap3A_358 : i32 to index
    %swap3A_361 = arith.index_cast %swap3A_359 : i32 to index
    %swap3A_362 = arith.constant 0 : index
    %swap3A_363 = tpu.vector_load %arg13[%swap3A_360, %swap3A_361, %swap3A_362] {strides = array<i32>} : memref<2x16x16xi32, #tpu.memory_space<vmem>>, vector<16xi32>,
    tpu.vector_store %arg13[%swap3A_360, %swap3A_361, %swap3A_362], %add3A_357 {strides = array<i32>} : memref<2x16x16xi32, #tpu.memory_space<vmem>>, vector<16xi32>,
    %mul3A_364 = arith.constant 32 : i32
    %mul3A_365 = vector.broadcast %mul3A_364 : i32 to vector<16xi32>
    %mul3A_366 = arith.muli %iota3A, %mul3A_365 : vector<16xi32>
    %add3A_367 = arith.addi %mul3A_366, %add3A_357 : vector<16xi32>
    %swap3A_368 = arith.constant 0 : i32
    %swap3A_369 = arith.constant 7 : i32
    %swap3A_370 = arith.index_cast %swap3A_368 : i32 to index
    %swap3A_371 = arith.index_cast %swap3A_369 : i32 to index
    %swap3A_372 = arith.constant 0 : index
    %swap3A_373 = tpu.vector_load %arg14[%swap3A_370, %swap3A_371, %swap3A_372] {strides = array<i32>} : memref<2x16x16xi32, #tpu.memory_space<vmem>>, vector<16xi32>,
    tpu.vector_store %arg14[%swap3A_370, %swap3A_371, %swap3A_372], %add3A_367 {strides = array<i32>} : memref<2x16x16xi32, #tpu.memory_space<vmem>>, vector<16xi32>,
    %add3A_374 = arith.constant 7 : i32
    %add3A_375 = vector.broadcast %add3A_374 : i32 to vector<16xi32>
    %add3A_376 = arith.addi %iota3A, %add3A_375 : vector<16xi32>
    %and3A_377 = arith.constant 15 : i32
    %and3A_378 = vector.broadcast %and3A_377 : i32 to vector<16xi32>
    %and3A_379 = arith.andi %add3A_376, %and3A_378 : vector<16xi32>
    %add3A_380 = arith.constant 16 : i32
    %add3A_381 = vector.broadcast %add3A_380 : i32 to vector<16xi32>
    %add3A_382 = arith.addi %add3A_381, %and3A_379 : vector<16xi32>
    %swap3A_383 = arith.constant 1 : i32
    %swap3A_384 = arith.constant 7 : i32
    %swap3A_385 = arith.index_cast %swap3A_383 : i32 to index
    %swap3A_386 = arith.index_cast %swap3A_384 : i32 to index
    %swap3A_387 = arith.constant 0 : index
    %swap3A_388 = tpu.vector_load %arg13[%swap3A_385, %swap3A_386, %swap3A_387] {strides = array<i32>} : memref<2x16x16xi32, #tpu.memory_space<vmem>>, vector<16xi32>,
    tpu.vector_store %arg13[%swap3A_385, %swap3A_386, %swap3A_387], %add3A_382 {strides = array<i32>} : memref<2x16x16xi32, #tpu.memory_space<vmem>>, vector<16xi32>,
    %mul3A_389 = arith.constant 32 : i32
    %mul3A_390 = vector.broadcast %mul3A_389 : i32 to vector<16xi32>
    %mul3A_391 = arith.muli %iota3A, %mul3A_390 : vector<16xi32>
    %add3A_392 = arith.addi %mul3A_391, %add3A_382 : vector<16xi32>
    %swap3A_393 = arith.constant 1 : i32
    %swap3A_394 = arith.constant 7 : i32
    %swap3A_395 = arith.index_cast %swap3A_393 : i32 to index
    %swap3A_396 = arith.index_cast %swap3A_394 : i32 to index
    %swap3A_397 = arith.constant 0 : index
    %swap3A_398 = tpu.vector_load %arg14[%swap3A_395, %swap3A_396, %swap3A_397] {strides = array<i32>} : memref<2x16x16xi32, #tpu.memory_space<vmem>>, vector<16xi32>,
    tpu.vector_store %arg14[%swap3A_395, %swap3A_396, %swap3A_397], %add3A_392 {strides = array<i32>} : memref<2x16x16xi32, #tpu.memory_space<vmem>>, vector<16xi32>,
    %add3A_399 = arith.constant 8 : i32
    %add3A_400 = vector.broadcast %add3A_399 : i32 to vector<16xi32>
    %add3A_401 = arith.addi %iota3A, %add3A_400 : vector<16xi32>
    %and3A_402 = arith.constant 15 : i32
    %and3A_403 = vector.broadcast %and3A_402 : i32 to vector<16xi32>
    %and3A_404 = arith.andi %add3A_401, %and3A_403 : vector<16xi32>
    %add3A_405 = arith.constant 0 : i32
    %add3A_406 = vector.broadcast %add3A_405 : i32 to vector<16xi32>
    %add3A_407 = arith.addi %add3A_406, %and3A_404 : vector<16xi32>
    %swap3A_408 = arith.constant 0 : i32
    %swap3A_409 = arith.constant 8 : i32
    %swap3A_410 = arith.index_cast %swap3A_408 : i32 to index
    %swap3A_411 = arith.index_cast %swap3A_409 : i32 to index
    %swap3A_412 = arith.constant 0 : index
    %swap3A_413 = tpu.vector_load %arg13[%swap3A_410, %swap3A_411, %swap3A_412] {strides = array<i32>} : memref<2x16x16xi32, #tpu.memory_space<vmem>>, vector<16xi32>,
    tpu.vector_store %arg13[%swap3A_410, %swap3A_411, %swap3A_412], %add3A_407 {strides = array<i32>} : memref<2x16x16xi32, #tpu.memory_space<vmem>>, vector<16xi32>,
    %mul3A_414 = arith.constant 32 : i32
    %mul3A_415 = vector.broadcast %mul3A_414 : i32 to vector<16xi32>
    %mul3A_416 = arith.muli %iota3A, %mul3A_415 : vector<16xi32>
    %add3A_417 = arith.addi %mul3A_416, %add3A_407 : vector<16xi32>
    %swap3A_418 = arith.constant 0 : i32
    %swap3A_419 = arith.constant 8 : i32
    %swap3A_420 = arith.index_cast %swap3A_418 : i32 to index
    %swap3A_421 = arith.index_cast %swap3A_419 : i32 to index
    %swap3A_422 = arith.constant 0 : index
    %swap3A_423 = tpu.vector_load %arg14[%swap3A_420, %swap3A_421, %swap3A_422] {strides = array<i32>} : memref<2x16x16xi32, #tpu.memory_space<vmem>>, vector<16xi32>,
    tpu.vector_store %arg14[%swap3A_420, %swap3A_421, %swap3A_422], %add3A_417 {strides = array<i32>} : memref<2x16x16xi32, #tpu.memory_space<vmem>>, vector<16xi32>,
    %add3A_424 = arith.constant 8 : i32
    %add3A_425 = vector.broadcast %add3A_424 : i32 to vector<16xi32>
    %add3A_426 = arith.addi %iota3A, %add3A_425 : vector<16xi32>
    %and3A_427 = arith.constant 15 : i32
    %and3A_428 = vector.broadcast %and3A_427 : i32 to vector<16xi32>
    %and3A_429 = arith.andi %add3A_426, %and3A_428 : vector<16xi32>
    %add3A_430 = arith.constant 16 : i32
    %add3A_431 = vector.broadcast %add3A_430 : i32 to vector<16xi32>
    %add3A_432 = arith.addi %add3A_431, %and3A_429 : vector<16xi32>
    %swap3A_433 = arith.constant 1 : i32
    %swap3A_434 = arith.constant 8 : i32
    %swap3A_435 = arith.index_cast %swap3A_433 : i32 to index
    %swap3A_436 = arith.index_cast %swap3A_434 : i32 to index
    %swap3A_437 = arith.constant 0 : index
    %swap3A_438 = tpu.vector_load %arg13[%swap3A_435, %swap3A_436, %swap3A_437] {strides = array<i32>} : memref<2x16x16xi32, #tpu.memory_space<vmem>>, vector<16xi32>,
    tpu.vector_store %arg13[%swap3A_435, %swap3A_436, %swap3A_437], %add3A_432 {strides = array<i32>} : memref<2x16x16xi32, #tpu.memory_space<vmem>>, vector<16xi32>,
    %mul3A_439 = arith.constant 32 : i32
    %mul3A_440 = vector.broadcast %mul3A_439 : i32 to vector<16xi32>
    %mul3A_441 = arith.muli %iota3A, %mul3A_440 : vector<16xi32>
    %add3A_442 = arith.addi %mul3A_441, %add3A_432 : vector<16xi32>
    %swap3A_443 = arith.constant 1 : i32
    %swap3A_444 = arith.constant 8 : i32
    %swap3A_445 = arith.index_cast %swap3A_443 : i32 to index
    %swap3A_446 = arith.index_cast %swap3A_444 : i32 to index
    %swap3A_447 = arith.constant 0 : index
    %swap3A_448 = tpu.vector_load %arg14[%swap3A_445, %swap3A_446, %swap3A_447] {strides = array<i32>} : memref<2x16x16xi32, #tpu.memory_space<vmem>>, vector<16xi32>,
    tpu.vector_store %arg14[%swap3A_445, %swap3A_446, %swap3A_447], %add3A_442 {strides = array<i32>} : memref<2x16x16xi32, #tpu.memory_space<vmem>>, vector<16xi32>,
    %add3A_449 = arith.constant 9 : i32
    %add3A_450 = vector.broadcast %add3A_449 : i32 to vector<16xi32>
    %add3A_451 = arith.addi %iota3A, %add3A_450 : vector<16xi32>
    %and3A_452 = arith.constant 15 : i32
    %and3A_453 = vector.broadcast %and3A_452 : i32 to vector<16xi32>
    %and3A_454 = arith.andi %add3A_451, %and3A_453 : vector<16xi32>
    %add3A_455 = arith.constant 0 : i32
    %add3A_456 = vector.broadcast %add3A_455 : i32 to vector<16xi32>
    %add3A_457 = arith.addi %add3A_456, %and3A_454 : vector<16xi32>
    %swap3A_458 = arith.constant 0 : i32
    %swap3A_459 = arith.constant 9 : i32
    %swap3A_460 = arith.index_cast %swap3A_458 : i32 to index
    %swap3A_461 = arith.index_cast %swap3A_459 : i32 to index
    %swap3A_462 = arith.constant 0 : index
    %swap3A_463 = tpu.vector_load %arg13[%swap3A_460, %swap3A_461, %swap3A_462] {strides = array<i32>} : memref<2x16x16xi32, #tpu.memory_space<vmem>>, vector<16xi32>,
    tpu.vector_store %arg13[%swap3A_460, %swap3A_461, %swap3A_462], %add3A_457 {strides = array<i32>} : memref<2x16x16xi32, #tpu.memory_space<vmem>>, vector<16xi32>,
    %mul3A_464 = arith.constant 32 : i32
    %mul3A_465 = vector.broadcast %mul3A_464 : i32 to vector<16xi32>
    %mul3A_466 = arith.muli %iota3A, %mul3A_465 : vector<16xi32>
    %add3A_467 = arith.addi %mul3A_466, %add3A_457 : vector<16xi32>
    %swap3A_468 = arith.constant 0 : i32
    %swap3A_469 = arith.constant 9 : i32
    %swap3A_470 = arith.index_cast %swap3A_468 : i32 to index
    %swap3A_471 = arith.index_cast %swap3A_469 : i32 to index
    %swap3A_472 = arith.constant 0 : index
    %swap3A_473 = tpu.vector_load %arg14[%swap3A_470, %swap3A_471, %swap3A_472] {strides = array<i32>} : memref<2x16x16xi32, #tpu.memory_space<vmem>>, vector<16xi32>,
    tpu.vector_store %arg14[%swap3A_470, %swap3A_471, %swap3A_472], %add3A_467 {strides = array<i32>} : memref<2x16x16xi32, #tpu.memory_space<vmem>>, vector<16xi32>,
    %add3A_474 = arith.constant 9 : i32
    %add3A_475 = vector.broadcast %add3A_474 : i32 to vector<16xi32>
    %add3A_476 = arith.addi %iota3A, %add3A_475 : vector<16xi32>
    %and3A_477 = arith.constant 15 : i32
    %and3A_478 = vector.broadcast %and3A_477 : i32 to vector<16xi32>
    %and3A_479 = arith.andi %add3A_476, %and3A_478 : vector<16xi32>
    %add3A_480 = arith.constant 16 : i32
    %add3A_481 = vector.broadcast %add3A_480 : i32 to vector<16xi32>
    %add3A_482 = arith.addi %add3A_481, %and3A_479 : vector<16xi32>
    %swap3A_483 = arith.constant 1 : i32
    %swap3A_484 = arith.constant 9 : i32
    %swap3A_485 = arith.index_cast %swap3A_483 : i32 to index
    %swap3A_486 = arith.index_cast %swap3A_484 : i32 to index
    %swap3A_487 = arith.constant 0 : index
    %swap3A_488 = tpu.vector_load %arg13[%swap3A_485, %swap3A_486, %swap3A_487] {strides = array<i32>} : memref<2x16x16xi32, #tpu.memory_space<vmem>>, vector<16xi32>,
    tpu.vector_store %arg13[%swap3A_485, %swap3A_486, %swap3A_487], %add3A_482 {strides = array<i32>} : memref<2x16x16xi32, #tpu.memory_space<vmem>>, vector<16xi32>,
    %mul3A_489 = arith.constant 32 : i32
    %mul3A_490 = vector.broadcast %mul3A_489 : i32 to vector<16xi32>
    %mul3A_491 = arith.muli %iota3A, %mul3A_490 : vector<16xi32>
    %add3A_492 = arith.addi %mul3A_491, %add3A_482 : vector<16xi32>
    %swap3A_493 = arith.constant 1 : i32
    %swap3A_494 = arith.constant 9 : i32
    %swap3A_495 = arith.index_cast %swap3A_493 : i32 to index
    %swap3A_496 = arith.index_cast %swap3A_494 : i32 to index
    %swap3A_497 = arith.constant 0 : index
    %swap3A_498 = tpu.vector_load %arg14[%swap3A_495, %swap3A_496, %swap3A_497] {strides = array<i32>} : memref<2x16x16xi32, #tpu.memory_space<vmem>>, vector<16xi32>,
    tpu.vector_store %arg14[%swap3A_495, %swap3A_496, %swap3A_497], %add3A_492 {strides = array<i32>} : memref<2x16x16xi32, #tpu.memory_space<vmem>>, vector<16xi32>,
    %add3A_499 = arith.constant 10 : i32
    %add3A_500 = vector.broadcast %add3A_499 : i32 to vector<16xi32>
    %add3A_501 = arith.addi %iota3A, %add3A_500 : vector<16xi32>
    %and3A_502 = arith.constant 15 : i32
    %and3A_503 = vector.broadcast %and3A_502 : i32 to vector<16xi32>
    %and3A_504 = arith.andi %add3A_501, %and3A_503 : vector<16xi32>
    %add3A_505 = arith.constant 0 : i32
    %add3A_506 = vector.broadcast %add3A_505 : i32 to vector<16xi32>
    %add3A_507 = arith.addi %add3A_506, %and3A_504 : vector<16xi32>
    %swap3A_508 = arith.constant 0 : i32
    %swap3A_509 = arith.constant 10 : i32
    %swap3A_510 = arith.index_cast %swap3A_508 : i32 to index
    %swap3A_511 = arith.index_cast %swap3A_509 : i32 to index
    %swap3A_512 = arith.constant 0 : index
    %swap3A_513 = tpu.vector_load %arg13[%swap3A_510, %swap3A_511, %swap3A_512] {strides = array<i32>} : memref<2x16x16xi32, #tpu.memory_space<vmem>>, vector<16xi32>,
    tpu.vector_store %arg13[%swap3A_510, %swap3A_511, %swap3A_512], %add3A_507 {strides = array<i32>} : memref<2x16x16xi32, #tpu.memory_space<vmem>>, vector<16xi32>,
    %mul3A_514 = arith.constant 32 : i32
    %mul3A_515 = vector.broadcast %mul3A_514 : i32 to vector<16xi32>
    %mul3A_516 = arith.muli %iota3A, %mul3A_515 : vector<16xi32>
    %add3A_517 = arith.addi %mul3A_516, %add3A_507 : vector<16xi32>
    %swap3A_518 = arith.constant 0 : i32
    %swap3A_519 = arith.constant 10 : i32
    %swap3A_520 = arith.index_cast %swap3A_518 : i32 to index
    %swap3A_521 = arith.index_cast %swap3A_519 : i32 to index
    %swap3A_522 = arith.constant 0 : index
    %swap3A_523 = tpu.vector_load %arg14[%swap3A_520, %swap3A_521, %swap3A_522] {strides = array<i32>} : memref<2x16x16xi32, #tpu.memory_space<vmem>>, vector<16xi32>,
    tpu.vector_store %arg14[%swap3A_520, %swap3A_521, %swap3A_522], %add3A_517 {strides = array<i32>} : memref<2x16x16xi32, #tpu.memory_space<vmem>>, vector<16xi32>,
    %add3A_524 = arith.constant 10 : i32
    %add3A_525 = vector.broadcast %add3A_524 : i32 to vector<16xi32>
    %add3A_526 = arith.addi %iota3A, %add3A_525 : vector<16xi32>
    %and3A_527 = arith.constant 15 : i32
    %and3A_528 = vector.broadcast %and3A_527 : i32 to vector<16xi32>
    %and3A_529 = arith.andi %add3A_526, %and3A_528 : vector<16xi32>
    %add3A_530 = arith.constant 16 : i32
    %add3A_531 = vector.broadcast %add3A_530 : i32 to vector<16xi32>
    %add3A_532 = arith.addi %add3A_531, %and3A_529 : vector<16xi32>
    %swap3A_533 = arith.constant 1 : i32
    %swap3A_534 = arith.constant 10 : i32
    %swap3A_535 = arith.index_cast %swap3A_533 : i32 to index
    %swap3A_536 = arith.index_cast %swap3A_534 : i32 to index
    %swap3A_537 = arith.constant 0 : index
    %swap3A_538 = tpu.vector_load %arg13[%swap3A_535, %swap3A_536, %swap3A_537] {strides = array<i32>} : memref<2x16x16xi32, #tpu.memory_space<vmem>>, vector<16xi32>,
    tpu.vector_store %arg13[%swap3A_535, %swap3A_536, %swap3A_537], %add3A_532 {strides = array<i32>} : memref<2x16x16xi32, #tpu.memory_space<vmem>>, vector<16xi32>,
    %mul3A_539 = arith.constant 32 : i32
    %mul3A_540 = vector.broadcast %mul3A_539 : i32 to vector<16xi32>
    %mul3A_541 = arith.muli %iota3A, %mul3A_540 : vector<16xi32>
    %add3A_542 = arith.addi %mul3A_541, %add3A_532 : vector<16xi32>
    %swap3A_543 = arith.constant 1 : i32
    %swap3A_544 = arith.constant 10 : i32
    %swap3A_545 = arith.index_cast %swap3A_543 : i32 to index
    %swap3A_546 = arith.index_cast %swap3A_544 : i32 to index
    %swap3A_547 = arith.constant 0 : index
    %swap3A_548 = tpu.vector_load %arg14[%swap3A_545, %swap3A_546, %swap3A_547] {strides = array<i32>} : memref<2x16x16xi32, #tpu.memory_space<vmem>>, vector<16xi32>,
    tpu.vector_store %arg14[%swap3A_545, %swap3A_546, %swap3A_547], %add3A_542 {strides = array<i32>} : memref<2x16x16xi32, #tpu.memory_space<vmem>>, vector<16xi32>,
    %add3A_549 = arith.constant 11 : i32
    %add3A_550 = vector.broadcast %add3A_549 : i32 to vector<16xi32>
    %add3A_551 = arith.addi %iota3A, %add3A_550 : vector<16xi32>
    %and3A_552 = arith.constant 15 : i32
    %and3A_553 = vector.broadcast %and3A_552 : i32 to vector<16xi32>
    %and3A_554 = arith.andi %add3A_551, %and3A_553 : vector<16xi32>
    %add3A_555 = arith.constant 0 : i32
    %add3A_556 = vector.broadcast %add3A_555 : i32 to vector<16xi32>
    %add3A_557 = arith.addi %add3A_556, %and3A_554 : vector<16xi32>
    %swap3A_558 = arith.constant 0 : i32
    %swap3A_559 = arith.constant 11 : i32
    %swap3A_560 = arith.index_cast %swap3A_558 : i32 to index
    %swap3A_561 = arith.index_cast %swap3A_559 : i32 to index
    %swap3A_562 = arith.constant 0 : index
    %swap3A_563 = tpu.vector_load %arg13[%swap3A_560, %swap3A_561, %swap3A_562] {strides = array<i32>} : memref<2x16x16xi32, #tpu.memory_space<vmem>>, vector<16xi32>,
    tpu.vector_store %arg13[%swap3A_560, %swap3A_561, %swap3A_562], %add3A_557 {strides = array<i32>} : memref<2x16x16xi32, #tpu.memory_space<vmem>>, vector<16xi32>,
    %mul3A_564 = arith.constant 32 : i32
    %mul3A_565 = vector.broadcast %mul3A_564 : i32 to vector<16xi32>
    %mul3A_566 = arith.muli %iota3A, %mul3A_565 : vector<16xi32>
    %add3A_567 = arith.addi %mul3A_566, %add3A_557 : vector<16xi32>
    %swap3A_568 = arith.constant 0 : i32
    %swap3A_569 = arith.constant 11 : i32
    %swap3A_570 = arith.index_cast %swap3A_568 : i32 to index
    %swap3A_571 = arith.index_cast %swap3A_569 : i32 to index
    %swap3A_572 = arith.constant 0 : index
    %swap3A_573 = tpu.vector_load %arg14[%swap3A_570, %swap3A_571, %swap3A_572] {strides = array<i32>} : memref<2x16x16xi32, #tpu.memory_space<vmem>>, vector<16xi32>,
    tpu.vector_store %arg14[%swap3A_570, %swap3A_571, %swap3A_572], %add3A_567 {strides = array<i32>} : memref<2x16x16xi32, #tpu.memory_space<vmem>>, vector<16xi32>,
    %add3A_574 = arith.constant 11 : i32
    %add3A_575 = vector.broadcast %add3A_574 : i32 to vector<16xi32>
    %add3A_576 = arith.addi %iota3A, %add3A_575 : vector<16xi32>
    %and3A_577 = arith.constant 15 : i32
    %and3A_578 = vector.broadcast %and3A_577 : i32 to vector<16xi32>
    %and3A_579 = arith.andi %add3A_576, %and3A_578 : vector<16xi32>
    %add3A_580 = arith.constant 16 : i32
    %add3A_581 = vector.broadcast %add3A_580 : i32 to vector<16xi32>
    %add3A_582 = arith.addi %add3A_581, %and3A_579 : vector<16xi32>
    %swap3A_583 = arith.constant 1 : i32
    %swap3A_584 = arith.constant 11 : i32
    %swap3A_585 = arith.index_cast %swap3A_583 : i32 to index
    %swap3A_586 = arith.index_cast %swap3A_584 : i32 to index
    %swap3A_587 = arith.constant 0 : index
    %swap3A_588 = tpu.vector_load %arg13[%swap3A_585, %swap3A_586, %swap3A_587] {strides = array<i32>} : memref<2x16x16xi32, #tpu.memory_space<vmem>>, vector<16xi32>,
    tpu.vector_store %arg13[%swap3A_585, %swap3A_586, %swap3A_587], %add3A_582 {strides = array<i32>} : memref<2x16x16xi32, #tpu.memory_space<vmem>>, vector<16xi32>,
    %mul3A_589 = arith.constant 32 : i32
    %mul3A_590 = vector.broadcast %mul3A_589 : i32 to vector<16xi32>
    %mul3A_591 = arith.muli %iota3A, %mul3A_590 : vector<16xi32>
    %add3A_592 = arith.addi %mul3A_591, %add3A_582 : vector<16xi32>
    %swap3A_593 = arith.constant 1 : i32
    %swap3A_594 = arith.constant 11 : i32
    %swap3A_595 = arith.index_cast %swap3A_593 : i32 to index
    %swap3A_596 = arith.index_cast %swap3A_594 : i32 to index
    %swap3A_597 = arith.constant 0 : index
    %swap3A_598 = tpu.vector_load %arg14[%swap3A_595, %swap3A_596, %swap3A_597] {strides = array<i32>} : memref<2x16x16xi32, #tpu.memory_space<vmem>>, vector<16xi32>,
    tpu.vector_store %arg14[%swap3A_595, %swap3A_596, %swap3A_597], %add3A_592 {strides = array<i32>} : memref<2x16x16xi32, #tpu.memory_space<vmem>>, vector<16xi32>,
    %add3A_599 = arith.constant 12 : i32
    %add3A_600 = vector.broadcast %add3A_599 : i32 to vector<16xi32>
    %add3A_601 = arith.addi %iota3A, %add3A_600 : vector<16xi32>
    %and3A_602 = arith.constant 15 : i32
    %and3A_603 = vector.broadcast %and3A_602 : i32 to vector<16xi32>
    %and3A_604 = arith.andi %add3A_601, %and3A_603 : vector<16xi32>
    %add3A_605 = arith.constant 0 : i32
    %add3A_606 = vector.broadcast %add3A_605 : i32 to vector<16xi32>
    %add3A_607 = arith.addi %add3A_606, %and3A_604 : vector<16xi32>
    %swap3A_608 = arith.constant 0 : i32
    %swap3A_609 = arith.constant 12 : i32
    %swap3A_610 = arith.index_cast %swap3A_608 : i32 to index
    %swap3A_611 = arith.index_cast %swap3A_609 : i32 to index
    %swap3A_612 = arith.constant 0 : index
    %swap3A_613 = tpu.vector_load %arg13[%swap3A_610, %swap3A_611, %swap3A_612] {strides = array<i32>} : memref<2x16x16xi32, #tpu.memory_space<vmem>>, vector<16xi32>,
    tpu.vector_store %arg13[%swap3A_610, %swap3A_611, %swap3A_612], %add3A_607 {strides = array<i32>} : memref<2x16x16xi32, #tpu.memory_space<vmem>>, vector<16xi32>,
    %mul3A_614 = arith.constant 32 : i32
    %mul3A_615 = vector.broadcast %mul3A_614 : i32 to vector<16xi32>
    %mul3A_616 = arith.muli %iota3A, %mul3A_615 : vector<16xi32>
    %add3A_617 = arith.addi %mul3A_616, %add3A_607 : vector<16xi32>
    %swap3A_618 = arith.constant 0 : i32
    %swap3A_619 = arith.constant 12 : i32
    %swap3A_620 = arith.index_cast %swap3A_618 : i32 to index
    %swap3A_621 = arith.index_cast %swap3A_619 : i32 to index
    %swap3A_622 = arith.constant 0 : index
    %swap3A_623 = tpu.vector_load %arg14[%swap3A_620, %swap3A_621, %swap3A_622] {strides = array<i32>} : memref<2x16x16xi32, #tpu.memory_space<vmem>>, vector<16xi32>,
    tpu.vector_store %arg14[%swap3A_620, %swap3A_621, %swap3A_622], %add3A_617 {strides = array<i32>} : memref<2x16x16xi32, #tpu.memory_space<vmem>>, vector<16xi32>,
    %add3A_624 = arith.constant 12 : i32
    %add3A_625 = vector.broadcast %add3A_624 : i32 to vector<16xi32>
    %add3A_626 = arith.addi %iota3A, %add3A_625 : vector<16xi32>
    %and3A_627 = arith.constant 15 : i32
    %and3A_628 = vector.broadcast %and3A_627 : i32 to vector<16xi32>
    %and3A_629 = arith.andi %add3A_626, %and3A_628 : vector<16xi32>
    %add3A_630 = arith.constant 16 : i32
    %add3A_631 = vector.broadcast %add3A_630 : i32 to vector<16xi32>
    %add3A_632 = arith.addi %add3A_631, %and3A_629 : vector<16xi32>
    %swap3A_633 = arith.constant 1 : i32
    %swap3A_634 = arith.constant 12 : i32
    %swap3A_635 = arith.index_cast %swap3A_633 : i32 to index
    %swap3A_636 = arith.index_cast %swap3A_634 : i32 to index
    %swap3A_637 = arith.constant 0 : index
    %swap3A_638 = tpu.vector_load %arg13[%swap3A_635, %swap3A_636, %swap3A_637] {strides = array<i32>} : memref<2x16x16xi32, #tpu.memory_space<vmem>>, vector<16xi32>,
    tpu.vector_store %arg13[%swap3A_635, %swap3A_636, %swap3A_637], %add3A_632 {strides = array<i32>} : memref<2x16x16xi32, #tpu.memory_space<vmem>>, vector<16xi32>,
    %mul3A_639 = arith.constant 32 : i32
    %mul3A_640 = vector.broadcast %mul3A_639 : i32 to vector<16xi32>
    %mul3A_641 = arith.muli %iota3A, %mul3A_640 : vector<16xi32>
    %add3A_642 = arith.addi %mul3A_641, %add3A_632 : vector<16xi32>
    %swap3A_643 = arith.constant 1 : i32
    %swap3A_644 = arith.constant 12 : i32
    %swap3A_645 = arith.index_cast %swap3A_643 : i32 to index
    %swap3A_646 = arith.index_cast %swap3A_644 : i32 to index
    %swap3A_647 = arith.constant 0 : index
    %swap3A_648 = tpu.vector_load %arg14[%swap3A_645, %swap3A_646, %swap3A_647] {strides = array<i32>} : memref<2x16x16xi32, #tpu.memory_space<vmem>>, vector<16xi32>,
    tpu.vector_store %arg14[%swap3A_645, %swap3A_646, %swap3A_647], %add3A_642 {strides = array<i32>} : memref<2x16x16xi32, #tpu.memory_space<vmem>>, vector<16xi32>,
    %add3A_649 = arith.constant 13 : i32
    %add3A_650 = vector.broadcast %add3A_649 : i32 to vector<16xi32>
    %add3A_651 = arith.addi %iota3A, %add3A_650 : vector<16xi32>
    %and3A_652 = arith.constant 15 : i32
    %and3A_653 = vector.broadcast %and3A_652 : i32 to vector<16xi32>
    %and3A_654 = arith.andi %add3A_651, %and3A_653 : vector<16xi32>
    %add3A_655 = arith.constant 0 : i32
    %add3A_656 = vector.broadcast %add3A_655 : i32 to vector<16xi32>
    %add3A_657 = arith.addi %add3A_656, %and3A_654 : vector<16xi32>
    %swap3A_658 = arith.constant 0 : i32
    %swap3A_659 = arith.constant 13 : i32
    %swap3A_660 = arith.index_cast %swap3A_658 : i32 to index
    %swap3A_661 = arith.index_cast %swap3A_659 : i32 to index
    %swap3A_662 = arith.constant 0 : index
    %swap3A_663 = tpu.vector_load %arg13[%swap3A_660, %swap3A_661, %swap3A_662] {strides = array<i32>} : memref<2x16x16xi32, #tpu.memory_space<vmem>>, vector<16xi32>,
    tpu.vector_store %arg13[%swap3A_660, %swap3A_661, %swap3A_662], %add3A_657 {strides = array<i32>} : memref<2x16x16xi32, #tpu.memory_space<vmem>>, vector<16xi32>,
    %mul3A_664 = arith.constant 32 : i32
    %mul3A_665 = vector.broadcast %mul3A_664 : i32 to vector<16xi32>
    %mul3A_666 = arith.muli %iota3A, %mul3A_665 : vector<16xi32>
    %add3A_667 = arith.addi %mul3A_666, %add3A_657 : vector<16xi32>
    %swap3A_668 = arith.constant 0 : i32
    %swap3A_669 = arith.constant 13 : i32
    %swap3A_670 = arith.index_cast %swap3A_668 : i32 to index
    %swap3A_671 = arith.index_cast %swap3A_669 : i32 to index
    %swap3A_672 = arith.constant 0 : index
    %swap3A_673 = tpu.vector_load %arg14[%swap3A_670, %swap3A_671, %swap3A_672] {strides = array<i32>} : memref<2x16x16xi32, #tpu.memory_space<vmem>>, vector<16xi32>,
    tpu.vector_store %arg14[%swap3A_670, %swap3A_671, %swap3A_672], %add3A_667 {strides = array<i32>} : memref<2x16x16xi32, #tpu.memory_space<vmem>>, vector<16xi32>,
    %add3A_674 = arith.constant 13 : i32
    %add3A_675 = vector.broadcast %add3A_674 : i32 to vector<16xi32>
    %add3A_676 = arith.addi %iota3A, %add3A_675 : vector<16xi32>
    %and3A_677 = arith.constant 15 : i32
    %and3A_678 = vector.broadcast %and3A_677 : i32 to vector<16xi32>
    %and3A_679 = arith.andi %add3A_676, %and3A_678 : vector<16xi32>
    %add3A_680 = arith.constant 16 : i32
    %add3A_681 = vector.broadcast %add3A_680 : i32 to vector<16xi32>
    %add3A_682 = arith.addi %add3A_681, %and3A_679 : vector<16xi32>
    %swap3A_683 = arith.constant 1 : i32
    %swap3A_684 = arith.constant 13 : i32
    %swap3A_685 = arith.index_cast %swap3A_683 : i32 to index
    %swap3A_686 = arith.index_cast %swap3A_684 : i32 to index
    %swap3A_687 = arith.constant 0 : index
    %swap3A_688 = tpu.vector_load %arg13[%swap3A_685, %swap3A_686, %swap3A_687] {strides = array<i32>} : memref<2x16x16xi32, #tpu.memory_space<vmem>>, vector<16xi32>,
    tpu.vector_store %arg13[%swap3A_685, %swap3A_686, %swap3A_687], %add3A_682 {strides = array<i32>} : memref<2x16x16xi32, #tpu.memory_space<vmem>>, vector<16xi32>,
    %mul3A_689 = arith.constant 32 : i32
    %mul3A_690 = vector.broadcast %mul3A_689 : i32 to vector<16xi32>
    %mul3A_691 = arith.muli %iota3A, %mul3A_690 : vector<16xi32>
    %add3A_692 = arith.addi %mul3A_691, %add3A_682 : vector<16xi32>
    %swap3A_693 = arith.constant 1 : i32
    %swap3A_694 = arith.constant 13 : i32
    %swap3A_695 = arith.index_cast %swap3A_693 : i32 to index
    %swap3A_696 = arith.index_cast %swap3A_694 : i32 to index
    %swap3A_697 = arith.constant 0 : index
    %swap3A_698 = tpu.vector_load %arg14[%swap3A_695, %swap3A_696, %swap3A_697] {strides = array<i32>} : memref<2x16x16xi32, #tpu.memory_space<vmem>>, vector<16xi32>,
    tpu.vector_store %arg14[%swap3A_695, %swap3A_696, %swap3A_697], %add3A_692 {strides = array<i32>} : memref<2x16x16xi32, #tpu.memory_space<vmem>>, vector<16xi32>,
    %add3A_699 = arith.constant 14 : i32
    %add3A_700 = vector.broadcast %add3A_699 : i32 to vector<16xi32>
    %add3A_701 = arith.addi %iota3A, %add3A_700 : vector<16xi32>
    %and3A_702 = arith.constant 15 : i32
    %and3A_703 = vector.broadcast %and3A_702 : i32 to vector<16xi32>
    %and3A_704 = arith.andi %add3A_701, %and3A_703 : vector<16xi32>
    %add3A_705 = arith.constant 0 : i32
    %add3A_706 = vector.broadcast %add3A_705 : i32 to vector<16xi32>
    %add3A_707 = arith.addi %add3A_706, %and3A_704 : vector<16xi32>
    %swap3A_708 = arith.constant 0 : i32
    %swap3A_709 = arith.constant 14 : i32
    %swap3A_710 = arith.index_cast %swap3A_708 : i32 to index
    %swap3A_711 = arith.index_cast %swap3A_709 : i32 to index
    %swap3A_712 = arith.constant 0 : index
    %swap3A_713 = tpu.vector_load %arg13[%swap3A_710, %swap3A_711, %swap3A_712] {strides = array<i32>} : memref<2x16x16xi32, #tpu.memory_space<vmem>>, vector<16xi32>,
    tpu.vector_store %arg13[%swap3A_710, %swap3A_711, %swap3A_712], %add3A_707 {strides = array<i32>} : memref<2x16x16xi32, #tpu.memory_space<vmem>>, vector<16xi32>,
    %mul3A_714 = arith.constant 32 : i32
    %mul3A_715 = vector.broadcast %mul3A_714 : i32 to vector<16xi32>
    %mul3A_716 = arith.muli %iota3A, %mul3A_715 : vector<16xi32>
    %add3A_717 = arith.addi %mul3A_716, %add3A_707 : vector<16xi32>
    %swap3A_718 = arith.constant 0 : i32
    %swap3A_719 = arith.constant 14 : i32
    %swap3A_720 = arith.index_cast %swap3A_718 : i32 to index
    %swap3A_721 = arith.index_cast %swap3A_719 : i32 to index
    %swap3A_722 = arith.constant 0 : index
    %swap3A_723 = tpu.vector_load %arg14[%swap3A_720, %swap3A_721, %swap3A_722] {strides = array<i32>} : memref<2x16x16xi32, #tpu.memory_space<vmem>>, vector<16xi32>,
    tpu.vector_store %arg14[%swap3A_720, %swap3A_721, %swap3A_722], %add3A_717 {strides = array<i32>} : memref<2x16x16xi32, #tpu.memory_space<vmem>>, vector<16xi32>,
    %add3A_724 = arith.constant 14 : i32
    %add3A_725 = vector.broadcast %add3A_724 : i32 to vector<16xi32>
    %add3A_726 = arith.addi %iota3A, %add3A_725 : vector<16xi32>
    %and3A_727 = arith.constant 15 : i32
    %and3A_728 = vector.broadcast %and3A_727 : i32 to vector<16xi32>
    %and3A_729 = arith.andi %add3A_726, %and3A_728 : vector<16xi32>
    %add3A_730 = arith.constant 16 : i32
    %add3A_731 = vector.broadcast %add3A_730 : i32 to vector<16xi32>
    %add3A_732 = arith.addi %add3A_731, %and3A_729 : vector<16xi32>
    %swap3A_733 = arith.constant 1 : i32
    %swap3A_734 = arith.constant 14 : i32
    %swap3A_735 = arith.index_cast %swap3A_733 : i32 to index
    %swap3A_736 = arith.index_cast %swap3A_734 : i32 to index
    %swap3A_737 = arith.constant 0 : index
    %swap3A_738 = tpu.vector_load %arg13[%swap3A_735, %swap3A_736, %swap3A_737] {strides = array<i32>} : memref<2x16x16xi32, #tpu.memory_space<vmem>>, vector<16xi32>,
    tpu.vector_store %arg13[%swap3A_735, %swap3A_736, %swap3A_737], %add3A_732 {strides = array<i32>} : memref<2x16x16xi32, #tpu.memory_space<vmem>>, vector<16xi32>,
    %mul3A_739 = arith.constant 32 : i32
    %mul3A_740 = vector.broadcast %mul3A_739 : i32 to vector<16xi32>
    %mul3A_741 = arith.muli %iota3A, %mul3A_740 : vector<16xi32>
    %add3A_742 = arith.addi %mul3A_741, %add3A_732 : vector<16xi32>
    %swap3A_743 = arith.constant 1 : i32
    %swap3A_744 = arith.constant 14 : i32
    %swap3A_745 = arith.index_cast %swap3A_743 : i32 to index
    %swap3A_746 = arith.index_cast %swap3A_744 : i32 to index
    %swap3A_747 = arith.constant 0 : index
    %swap3A_748 = tpu.vector_load %arg14[%swap3A_745, %swap3A_746, %swap3A_747] {strides = array<i32>} : memref<2x16x16xi32, #tpu.memory_space<vmem>>, vector<16xi32>,
    tpu.vector_store %arg14[%swap3A_745, %swap3A_746, %swap3A_747], %add3A_742 {strides = array<i32>} : memref<2x16x16xi32, #tpu.memory_space<vmem>>, vector<16xi32>,
    %add3A_749 = arith.constant 15 : i32
    %add3A_750 = vector.broadcast %add3A_749 : i32 to vector<16xi32>
    %add3A_751 = arith.addi %iota3A, %add3A_750 : vector<16xi32>
    %and3A_752 = arith.constant 15 : i32
    %and3A_753 = vector.broadcast %and3A_752 : i32 to vector<16xi32>
    %and3A_754 = arith.andi %add3A_751, %and3A_753 : vector<16xi32>
    %add3A_755 = arith.constant 0 : i32
    %add3A_756 = vector.broadcast %add3A_755 : i32 to vector<16xi32>
    %add3A_757 = arith.addi %add3A_756, %and3A_754 : vector<16xi32>
    %swap3A_758 = arith.constant 0 : i32
    %swap3A_759 = arith.constant 15 : i32
    %swap3A_760 = arith.index_cast %swap3A_758 : i32 to index
    %swap3A_761 = arith.index_cast %swap3A_759 : i32 to index
    %swap3A_762 = arith.constant 0 : index
    %swap3A_763 = tpu.vector_load %arg13[%swap3A_760, %swap3A_761, %swap3A_762] {strides = array<i32>} : memref<2x16x16xi32, #tpu.memory_space<vmem>>, vector<16xi32>,
    tpu.vector_store %arg13[%swap3A_760, %swap3A_761, %swap3A_762], %add3A_757 {strides = array<i32>} : memref<2x16x16xi32, #tpu.memory_space<vmem>>, vector<16xi32>,
    %mul3A_764 = arith.constant 32 : i32
    %mul3A_765 = vector.broadcast %mul3A_764 : i32 to vector<16xi32>
    %mul3A_766 = arith.muli %iota3A, %mul3A_765 : vector<16xi32>
    %add3A_767 = arith.addi %mul3A_766, %add3A_757 : vector<16xi32>
    %swap3A_768 = arith.constant 0 : i32
    %swap3A_769 = arith.constant 15 : i32
    %swap3A_770 = arith.index_cast %swap3A_768 : i32 to index
    %swap3A_771 = arith.index_cast %swap3A_769 : i32 to index
    %swap3A_772 = arith.constant 0 : index
    %swap3A_773 = tpu.vector_load %arg14[%swap3A_770, %swap3A_771, %swap3A_772] {strides = array<i32>} : memref<2x16x16xi32, #tpu.memory_space<vmem>>, vector<16xi32>,
    tpu.vector_store %arg14[%swap3A_770, %swap3A_771, %swap3A_772], %add3A_767 {strides = array<i32>} : memref<2x16x16xi32, #tpu.memory_space<vmem>>, vector<16xi32>,
    %add3A_774 = arith.constant 15 : i32
    %add3A_775 = vector.broadcast %add3A_774 : i32 to vector<16xi32>
    %add3A_776 = arith.addi %iota3A, %add3A_775 : vector<16xi32>
    %and3A_777 = arith.constant 15 : i32
    %and3A_778 = vector.broadcast %and3A_777 : i32 to vector<16xi32>
    %and3A_779 = arith.andi %add3A_776, %and3A_778 : vector<16xi32>
    %add3A_780 = arith.constant 16 : i32
    %add3A_781 = vector.broadcast %add3A_780 : i32 to vector<16xi32>
    %add3A_782 = arith.addi %add3A_781, %and3A_779 : vector<16xi32>
    %swap3A_783 = arith.constant 1 : i32
    %swap3A_784 = arith.constant 15 : i32
    %swap3A_785 = arith.index_cast %swap3A_783 : i32 to index
    %swap3A_786 = arith.index_cast %swap3A_784 : i32 to index
    %swap3A_787 = arith.constant 0 : index
    %swap3A_788 = tpu.vector_load %arg13[%swap3A_785, %swap3A_786, %swap3A_787] {strides = array<i32>} : memref<2x16x16xi32, #tpu.memory_space<vmem>>, vector<16xi32>,
    tpu.vector_store %arg13[%swap3A_785, %swap3A_786, %swap3A_787], %add3A_782 {strides = array<i32>} : memref<2x16x16xi32, #tpu.memory_space<vmem>>, vector<16xi32>,
    %mul3A_789 = arith.constant 32 : i32
    %mul3A_790 = vector.broadcast %mul3A_789 : i32 to vector<16xi32>
    %mul3A_791 = arith.muli %iota3A, %mul3A_790 : vector<16xi32>
    %add3A_792 = arith.addi %mul3A_791, %add3A_782 : vector<16xi32>
    %swap3A_793 = arith.constant 1 : i32
    %swap3A_794 = arith.constant 15 : i32
    %swap3A_795 = arith.index_cast %swap3A_793 : i32 to index
    %swap3A_796 = arith.index_cast %swap3A_794 : i32 to index
    %swap3A_797 = arith.constant 0 : index
    %swap3A_798 = tpu.vector_load %arg14[%swap3A_795, %swap3A_796, %swap3A_797] {strides = array<i32>} : memref<2x16x16xi32, #tpu.memory_space<vmem>>, vector<16xi32>,
    tpu.vector_store %arg14[%swap3A_795, %swap3A_796, %swap3A_797], %add3A_792 {strides = array<i32>} : memref<2x16x16xi32, #tpu.memory_space<vmem>>, vector<16xi32>,
    %add3A_799 = arith.constant 0 : i32
    %add3A_800 = arith.addi %add3A, %add3A_799 : i32
    %mul3A_801 = arith.constant 128 : i32
    %mul3A_802 = arith.muli %add3A_800, %mul3A_801 : i32
    %dma_start3A = arith.constant 0 : i32
    %dma_start3A_803 = tpu.memref_slice %arg2[%dma_start3A, %mul3A_802] : memref<32x1000000xf32, #tpu.memory_space<hbm>> -> memref<32x128xf32, #tpu.memory_space<hbm>>
    %dma_start3A_804 = arith.constant 0 : i32
    %dma_start3A_805 = tpu.memref_slice %arg2[%dma_start3A_804, %mul3A_802] : memref<32x1000000xf32, #tpu.memory_space<hbm>> -> memref<32x128xf32, #tpu.memory_space<hbm>>
    tpu.enqueue_dma source(%dma_start3A_805 : memref<32x128xf32, #tpu.memory_space<hbm>>) target(%arg5 : memref<32x128xf32, #tpu.memory_space<vmem>>) target_semaphore(%arg15 : memref<!tpu.dma_semaphore, #tpu.memory_space<semaphore_mem>>)
    %add3A_806 = arith.constant 32 : i32
    %add3A_807 = arith.addi %add3A, %add3A_806 : i32
    %mul3A_808 = arith.constant 128 : i32
    %mul3A_809 = arith.muli %add3A_807, %mul3A_808 : i32
    %dma_start3A_810 = arith.constant 0 : i32
    %dma_start3A_811 = tpu.memref_slice %arg2[%dma_start3A_810, %mul3A_809] : memref<32x1000000xf32, #tpu.memory_space<hbm>> -> memref<32x128xf32, #tpu.memory_space<hbm>>
    %dma_start3A_812 = arith.constant 0 : i32
    %dma_start3A_813 = tpu.memref_slice %arg2[%dma_start3A_812, %mul3A_809] : memref<32x1000000xf32, #tpu.memory_space<hbm>> -> memref<32x128xf32, #tpu.memory_space<hbm>>
    tpu.enqueue_dma source(%dma_start3A_813 : memref<32x128xf32, #tpu.memory_space<hbm>>) target(%arg6 : memref<32x128xf32, #tpu.memory_space<vmem>>) target_semaphore(%arg16 : memref<!tpu.dma_semaphore, #tpu.memory_space<semaphore_mem>>)
    %add3A_814 = arith.constant 64 : i32
    %add3A_815 = arith.addi %add3A, %add3A_814 : i32
    %mul3A_816 = arith.constant 128 : i32
    %mul3A_817 = arith.muli %add3A_815, %mul3A_816 : i32
    %dma_start3A_818 = arith.constant 0 : i32
    %dma_start3A_819 = tpu.memref_slice %arg2[%dma_start3A_818, %mul3A_817] : memref<32x1000000xf32, #tpu.memory_space<hbm>> -> memref<32x128xf32, #tpu.memory_space<hbm>>
    %dma_start3A_820 = arith.constant 0 : i32
    %dma_start3A_821 = tpu.memref_slice %arg2[%dma_start3A_820, %mul3A_817] : memref<32x1000000xf32, #tpu.memory_space<hbm>> -> memref<32x128xf32, #tpu.memory_space<hbm>>
    tpu.enqueue_dma source(%dma_start3A_821 : memref<32x128xf32, #tpu.memory_space<hbm>>) target(%arg7 : memref<32x128xf32, #tpu.memory_space<vmem>>) target_semaphore(%arg17 : memref<!tpu.dma_semaphore, #tpu.memory_space<semaphore_mem>>)
    %add3A_822 = arith.constant 96 : i32
    %add3A_823 = arith.addi %add3A, %add3A_822 : i32
    %mul3A_824 = arith.constant 128 : i32
    %mul3A_825 = arith.muli %add3A_823, %mul3A_824 : i32
    %dma_start3A_826 = arith.constant 0 : i32
    %dma_start3A_827 = tpu.memref_slice %arg2[%dma_start3A_826, %mul3A_825] : memref<32x1000000xf32, #tpu.memory_space<hbm>> -> memref<32x128xf32, #tpu.memory_space<hbm>>
    %dma_start3A_828 = arith.constant 0 : i32
    %dma_start3A_829 = tpu.memref_slice %arg2[%dma_start3A_828, %mul3A_825] : memref<32x1000000xf32, #tpu.memory_space<hbm>> -> memref<32x128xf32, #tpu.memory_space<hbm>>
    tpu.enqueue_dma source(%dma_start3A_829 : memref<32x128xf32, #tpu.memory_space<hbm>>) target(%arg8 : memref<32x128xf32, #tpu.memory_space<vmem>>) target_semaphore(%arg18 : memref<!tpu.dma_semaphore, #tpu.memory_space<semaphore_mem>>)
    %scan3A = arith.constant 0 : i32
    %scan3A_830 = arith.constant 0 : i32
    %scan3A_831 = arith.constant 61 : i32
    %scan3A_832 = arith.addi %scan3A_830, %scan3A_831 : i32
    %scan3A_833 = arith.constant 1 : i32
    scf.for %scan3A_856 = %scan3A_830 to %scan3A_832 step %scan3A_833  : i32 {
      %mul3A_857 = arith.constant 4 : i32
      %mul3A_858 = arith.muli %mul3A_857, %scan3A_856 : i32
      %add3A_859 = arith.constant 0 : i32
      %add3A_860 = arith.addi %mul3A_858, %add3A_859 : i32
      %dma_wait3A_861 = arith.constant 0 : i32
      %dma_wait3A_862 = arith.constant 0 : i32
      %dma_wait3A_863 = tpu.memref_slice %arg2[%dma_wait3A_861, %dma_wait3A_862] : memref<32x1000000xf32, #tpu.memory_space<hbm>> -> memref<32x128xf32, #tpu.memory_space<hbm>>
      %dma_wait3A_864 = arith.constant 0 : i32
      %dma_wait3A_865 = arith.constant 0 : i32
      %dma_wait3A_866 = tpu.memref_slice %arg2[%dma_wait3A_864, %dma_wait3A_865] : memref<32x1000000xf32, #tpu.memory_space<hbm>> -> memref<32x128xf32, #tpu.memory_space<hbm>>
      tpu.wait_dma2 semaphore(%arg15 : memref<!tpu.dma_semaphore, #tpu.memory_space<semaphore_mem>>) src(%dma_wait3A_866 : memref<32x128xf32, #tpu.memory_space<hbm>>) dst(%arg5 : memref<32x128xf32, #tpu.memory_space<vmem>>)
      %gt3A = arith.constant 0 : i32
      %gt3A_867 = arith.cmpi sgt, %scan3A_856, %gt3A : i32
      %convert_element_type3A_868 = arith.extui %gt3A_867 : i1 to i32
      %cond3A_869 = arith.constant 0 : i32
      %cond3A_870 = arith.cmpi ne, %convert_element_type3A_868, %cond3A_869 : i32
      scf.if %cond3A_870 {
        %dma_wait3A_996 = arith.constant 0 : i32
        %dma_wait3A_997 = tpu.memref_slice %arg4[%dma_wait3A_996] : memref<32000000xf32, #tpu.memory_space<hbm>> -> memref<4096xf32, #tpu.memory_space<hbm>>
        %dma_wait3A_998 = arith.constant 0 : i32
        %dma_wait3A_999 = tpu.memref_slice %arg4[%dma_wait3A_998] : memref<32000000xf32, #tpu.memory_space<hbm>> -> memref<4096xf32, #tpu.memory_space<hbm>>
        tpu.wait_dma2 semaphore(%arg19 : memref<!tpu.dma_semaphore, #tpu.memory_space<semaphore_mem>>) src(%arg9 : memref<4096xf32, #tpu.memory_space<vmem>>) dst(%dma_wait3A_999 : memref<4096xf32, #tpu.memory_space<hbm>>)
      } else {
      }
      %scan3A_871 = arith.constant 0 : i32
      %scan3A_872 = arith.constant 0 : i32
      %scan3A_873 = arith.constant 16 : i32
      %scan3A_874 = arith.addi %scan3A_872, %scan3A_873 : i32
      %scan3A_875 = arith.constant 1 : i32
      scf.for %scan3A_996 = %scan3A_872 to %scan3A_874 step %scan3A_875  : i32 {
        %get3A = arith.constant 0 : i32
        %get3A_997 = arith.index_cast %get3A : i32 to index
        %get3A_998 = arith.index_cast %scan3A_996 : i32 to index
        %get3A_999 = arith.constant 0 : index
        %get3A_1000 = tpu.vector_load %arg13[%get3A_997, %get3A_998, %get3A_999] {strides = array<i32>} : memref<2x16x16xi32, #tpu.memory_space<vmem>>, vector<16xi32>,
        %get3A_1001 = arith.constant 0 : i32
        %get3A_1002 = arith.index_cast %get3A_1001 : i32 to index
        %get3A_1003 = arith.index_cast %scan3A_996 : i32 to index
        %get3A_1004 = arith.constant 0 : index
        %get3A_1005 = tpu.vector_load %arg14[%get3A_1002, %get3A_1003, %get3A_1004] {strides = array<i32>} : memref<2x16x16xi32, #tpu.memory_space<vmem>>, vector<16xi32>,
        %parallel_loop3A = arith.constant 0 : i32
        %parallel_loop3A_1006 = arith.constant 8 : i32
        %parallel_loop3A_1007 = arith.constant 1 : i32
        scf.for %parallel_loop3A_1021 = %parallel_loop3A to %parallel_loop3A_1006 step %parallel_loop3A_1007  : i32 {
          %parallel_loop3A_1022 = arith.constant 16 : i32
          %parallel_loop3A_1023 = arith.muli %parallel_loop3A_1021, %parallel_loop3A_1022 : i32
          %parallel_loop3A_1024 = vector.broadcast %parallel_loop3A_1023 : i32 to vector<16xi32>
          %parallel_loop3A_1025 = arith.addi %parallel_loop3A_1024, %iota3A : vector<16xi32>
          %parallel_loop3A_1026 = tpu.vector_load_idx %arg5[%get3A_1000, %parallel_loop3A_1025] : memref<32x128xf32, #tpu.memory_space<vmem>>[vector<16xi32>, vector<16xi32>], vector<16xf32>,
          %parallel_loop3A_1027 = arith.constant 512 : i32
          %parallel_loop3A_1028 = arith.muli %parallel_loop3A_1021, %parallel_loop3A_1027 : i32
          %parallel_loop3A_1029 = vector.broadcast %parallel_loop3A_1028 : i32 to vector<16xi32>
          %parallel_loop3A_1030 = arith.addi %get3A_1005, %parallel_loop3A_1029 : vector<16xi32>
          tpu.vector_store_idx %arg9[%parallel_loop3A_1030], %parallel_loop3A_1026 : memref<4096xf32, #tpu.memory_space<vmem>>[vector<16xi32>], vector<16xf32>,
        } {sc.loop_unroll_factor = 8 : i64, sc.parallel_access}
        %get3A_1008 = arith.constant 1 : i32
        %get3A_1009 = arith.index_cast %get3A_1008 : i32 to index
        %get3A_1010 = arith.index_cast %scan3A_996 : i32 to index
        %get3A_1011 = arith.constant 0 : index
        %get3A_1012 = tpu.vector_load %arg13[%get3A_1009, %get3A_1010, %get3A_1011] {strides = array<i32>} : memref<2x16x16xi32, #tpu.memory_space<vmem>>, vector<16xi32>,
        %get3A_1013 = arith.constant 1 : i32
        %get3A_1014 = arith.index_cast %get3A_1013 : i32 to index
        %get3A_1015 = arith.index_cast %scan3A_996 : i32 to index
        %get3A_1016 = arith.constant 0 : index
        %get3A_1017 = tpu.vector_load %arg14[%get3A_1014, %get3A_1015, %get3A_1016] {strides = array<i32>} : memref<2x16x16xi32, #tpu.memory_space<vmem>>, vector<16xi32>,
        %parallel_loop3A_1018 = arith.constant 0 : i32
        %parallel_loop3A_1019 = arith.constant 8 : i32
        %parallel_loop3A_1020 = arith.constant 1 : i32
        scf.for %parallel_loop3A_1021 = %parallel_loop3A_1018 to %parallel_loop3A_1019 step %parallel_loop3A_1020  : i32 {
          %parallel_loop3A_1022 = arith.constant 16 : i32
          %parallel_loop3A_1023 = arith.muli %parallel_loop3A_1021, %parallel_loop3A_1022 : i32
          %parallel_loop3A_1024 = vector.broadcast %parallel_loop3A_1023 : i32 to vector<16xi32>
          %parallel_loop3A_1025 = arith.addi %parallel_loop3A_1024, %iota3A : vector<16xi32>
          %parallel_loop3A_1026 = tpu.vector_load_idx %arg5[%get3A_1012, %parallel_loop3A_1025] : memref<32x128xf32, #tpu.memory_space<vmem>>[vector<16xi32>, vector<16xi32>], vector<16xf32>,
          %parallel_loop3A_1027 = arith.constant 512 : i32
          %parallel_loop3A_1028 = arith.muli %parallel_loop3A_1021, %parallel_loop3A_1027 : i32
          %parallel_loop3A_1029 = vector.broadcast %parallel_loop3A_1028 : i32 to vector<16xi32>
          %parallel_loop3A_1030 = arith.addi %get3A_1017, %parallel_loop3A_1029 : vector<16xi32>
          tpu.vector_store_idx %arg9[%parallel_loop3A_1030], %parallel_loop3A_1026 : memref<4096xf32, #tpu.memory_space<vmem>>[vector<16xi32>], vector<16xf32>,
        } {sc.loop_unroll_factor = 8 : i64, sc.parallel_access}
      }
      %scan3A_876 = arith.constant 16 : i32
      %add3A_877 = arith.constant 4 : i32
      %add3A_878 = arith.addi %add3A_860, %add3A_877 : i32
      %lt3A_879 = arith.constant 244 : i32
      %lt3A_880 = arith.cmpi slt, %add3A_878, %lt3A_879 : i32
      %convert_element_type3A_881 = arith.extui %lt3A_880 : i1 to i32
      %cond3A_882 = arith.constant 0 : i32
      %cond3A_883 = arith.cmpi ne, %convert_element_type3A_881, %cond3A_882 : i32
      scf.if %cond3A_883 {
        %add3A_996 = arith.constant 4 : i32
        %add3A_997 = arith.addi %add3A_860, %add3A_996 : i32
        %mul3A_998 = arith.constant 32 : i32
        %mul3A_999 = arith.muli %mul3A_998, %add3A_997 : i32
        %add3A_1000 = arith.addi %add3A, %mul3A_999 : i32
        %mul3A_1001 = arith.constant 128 : i32
        %mul3A_1002 = arith.muli %add3A_1000, %mul3A_1001 : i32
        %dma_start3A_1003 = arith.constant 0 : i32
        %dma_start3A_1004 = tpu.memref_slice %arg2[%dma_start3A_1003, %mul3A_1002] : memref<32x1000000xf32, #tpu.memory_space<hbm>> -> memref<32x128xf32, #tpu.memory_space<hbm>>
        %dma_start3A_1005 = arith.constant 0 : i32
        %dma_start3A_1006 = tpu.memref_slice %arg2[%dma_start3A_1005, %mul3A_1002] : memref<32x1000000xf32, #tpu.memory_space<hbm>> -> memref<32x128xf32, #tpu.memory_space<hbm>>
        tpu.enqueue_dma source(%dma_start3A_1006 : memref<32x128xf32, #tpu.memory_space<hbm>>) target(%arg5 : memref<32x128xf32, #tpu.memory_space<vmem>>) target_semaphore(%arg15 : memref<!tpu.dma_semaphore, #tpu.memory_space<semaphore_mem>>)
      } else {
      }
      %mul3A_884 = arith.constant 32 : i32
      %mul3A_885 = arith.muli %mul3A_884, %add3A_860 : i32
      %add3A_886 = arith.addi %add3A, %mul3A_885 : i32
      %mul3A_887 = arith.constant 4096 : i32
      %mul3A_888 = arith.muli %add3A_886, %mul3A_887 : i32
      %dma_start3A_889 = tpu.memref_slice %arg4[%mul3A_888] : memref<32000000xf32, #tpu.memory_space<hbm>> -> memref<4096xf32, #tpu.memory_space<hbm>>
      %dma_start3A_890 = tpu.memref_slice %arg4[%mul3A_888] : memref<32000000xf32, #tpu.memory_space<hbm>> -> memref<4096xf32, #tpu.memory_space<hbm>>
      tpu.enqueue_dma source(%arg9 : memref<4096xf32, #tpu.memory_space<vmem>>) target(%dma_start3A_890 : memref<4096xf32, #tpu.memory_space<hbm>>) target_semaphore(%arg19 : memref<!tpu.dma_semaphore, #tpu.memory_space<semaphore_mem>>)
      %mul3A_891 = arith.constant 4 : i32
      %mul3A_892 = arith.muli %mul3A_891, %scan3A_856 : i32
      %add3A_893 = arith.constant 1 : i32
      %add3A_894 = arith.addi %mul3A_892, %add3A_893 : i32
      %dma_wait3A_895 = arith.constant 0 : i32
      %dma_wait3A_896 = arith.constant 0 : i32
      %dma_wait3A_897 = tpu.memref_slice %arg2[%dma_wait3A_895, %dma_wait3A_896] : memref<32x1000000xf32, #tpu.memory_space<hbm>> -> memref<32x128xf32, #tpu.memory_space<hbm>>
      %dma_wait3A_898 = arith.constant 0 : i32
      %dma_wait3A_899 = arith.constant 0 : i32
      %dma_wait3A_900 = tpu.memref_slice %arg2[%dma_wait3A_898, %dma_wait3A_899] : memref<32x1000000xf32, #tpu.memory_space<hbm>> -> memref<32x128xf32, #tpu.memory_space<hbm>>
      tpu.wait_dma2 semaphore(%arg16 : memref<!tpu.dma_semaphore, #tpu.memory_space<semaphore_mem>>) src(%dma_wait3A_900 : memref<32x128xf32, #tpu.memory_space<hbm>>) dst(%arg6 : memref<32x128xf32, #tpu.memory_space<vmem>>)
      %gt3A_901 = arith.constant 0 : i32
      %gt3A_902 = arith.cmpi sgt, %scan3A_856, %gt3A_901 : i32
      %convert_element_type3A_903 = arith.extui %gt3A_902 : i1 to i32
      %cond3A_904 = arith.constant 0 : i32
      %cond3A_905 = arith.cmpi ne, %convert_element_type3A_903, %cond3A_904 : i32
      scf.if %cond3A_905 {
        %dma_wait3A_996 = arith.constant 0 : i32
        %dma_wait3A_997 = tpu.memref_slice %arg4[%dma_wait3A_996] : memref<32000000xf32, #tpu.memory_space<hbm>> -> memref<4096xf32, #tpu.memory_space<hbm>>
        %dma_wait3A_998 = arith.constant 0 : i32
        %dma_wait3A_999 = tpu.memref_slice %arg4[%dma_wait3A_998] : memref<32000000xf32, #tpu.memory_space<hbm>> -> memref<4096xf32, #tpu.memory_space<hbm>>
        tpu.wait_dma2 semaphore(%arg20 : memref<!tpu.dma_semaphore, #tpu.memory_space<semaphore_mem>>) src(%arg10 : memref<4096xf32, #tpu.memory_space<vmem>>) dst(%dma_wait3A_999 : memref<4096xf32, #tpu.memory_space<hbm>>)
      } else {
      }
      %scan3A_906 = arith.constant 0 : i32
      %scan3A_907 = arith.constant 0 : i32
      %scan3A_908 = arith.constant 16 : i32
      %scan3A_909 = arith.addi %scan3A_907, %scan3A_908 : i32
      %scan3A_910 = arith.constant 1 : i32
      scf.for %scan3A_996 = %scan3A_907 to %scan3A_909 step %scan3A_910  : i32 {
        %get3A = arith.constant 0 : i32
        %get3A_997 = arith.index_cast %get3A : i32 to index
        %get3A_998 = arith.index_cast %scan3A_996 : i32 to index
        %get3A_999 = arith.constant 0 : index
        %get3A_1000 = tpu.vector_load %arg13[%get3A_997, %get3A_998, %get3A_999] {strides = array<i32>} : memref<2x16x16xi32, #tpu.memory_space<vmem>>, vector<16xi32>,
        %get3A_1001 = arith.constant 0 : i32
        %get3A_1002 = arith.index_cast %get3A_1001 : i32 to index
        %get3A_1003 = arith.index_cast %scan3A_996 : i32 to index
        %get3A_1004 = arith.constant 0 : index
        %get3A_1005 = tpu.vector_load %arg14[%get3A_1002, %get3A_1003, %get3A_1004] {strides = array<i32>} : memref<2x16x16xi32, #tpu.memory_space<vmem>>, vector<16xi32>,
        %parallel_loop3A = arith.constant 0 : i32
        %parallel_loop3A_1006 = arith.constant 8 : i32
        %parallel_loop3A_1007 = arith.constant 1 : i32
        scf.for %parallel_loop3A_1021 = %parallel_loop3A to %parallel_loop3A_1006 step %parallel_loop3A_1007  : i32 {
          %parallel_loop3A_1022 = arith.constant 16 : i32
          %parallel_loop3A_1023 = arith.muli %parallel_loop3A_1021, %parallel_loop3A_1022 : i32
          %parallel_loop3A_1024 = vector.broadcast %parallel_loop3A_1023 : i32 to vector<16xi32>
          %parallel_loop3A_1025 = arith.addi %parallel_loop3A_1024, %iota3A : vector<16xi32>
          %parallel_loop3A_1026 = tpu.vector_load_idx %arg6[%get3A_1000, %parallel_loop3A_1025] : memref<32x128xf32, #tpu.memory_space<vmem>>[vector<16xi32>, vector<16xi32>], vector<16xf32>,
          %parallel_loop3A_1027 = arith.constant 512 : i32
          %parallel_loop3A_1028 = arith.muli %parallel_loop3A_1021, %parallel_loop3A_1027 : i32
          %parallel_loop3A_1029 = vector.broadcast %parallel_loop3A_1028 : i32 to vector<16xi32>
          %parallel_loop3A_1030 = arith.addi %get3A_1005, %parallel_loop3A_1029 : vector<16xi32>
          tpu.vector_store_idx %arg10[%parallel_loop3A_1030], %parallel_loop3A_1026 : memref<4096xf32, #tpu.memory_space<vmem>>[vector<16xi32>], vector<16xf32>,
        } {sc.loop_unroll_factor = 8 : i64, sc.parallel_access}
        %get3A_1008 = arith.constant 1 : i32
        %get3A_1009 = arith.index_cast %get3A_1008 : i32 to index
        %get3A_1010 = arith.index_cast %scan3A_996 : i32 to index
        %get3A_1011 = arith.constant 0 : index
        %get3A_1012 = tpu.vector_load %arg13[%get3A_1009, %get3A_1010, %get3A_1011] {strides = array<i32>} : memref<2x16x16xi32, #tpu.memory_space<vmem>>, vector<16xi32>,
        %get3A_1013 = arith.constant 1 : i32
        %get3A_1014 = arith.index_cast %get3A_1013 : i32 to index
        %get3A_1015 = arith.index_cast %scan3A_996 : i32 to index
        %get3A_1016 = arith.constant 0 : index
        %get3A_1017 = tpu.vector_load %arg14[%get3A_1014, %get3A_1015, %get3A_1016] {strides = array<i32>} : memref<2x16x16xi32, #tpu.memory_space<vmem>>, vector<16xi32>,
        %parallel_loop3A_1018 = arith.constant 0 : i32
        %parallel_loop3A_1019 = arith.constant 8 : i32
        %parallel_loop3A_1020 = arith.constant 1 : i32
        scf.for %parallel_loop3A_1021 = %parallel_loop3A_1018 to %parallel_loop3A_1019 step %parallel_loop3A_1020  : i32 {
          %parallel_loop3A_1022 = arith.constant 16 : i32
          %parallel_loop3A_1023 = arith.muli %parallel_loop3A_1021, %parallel_loop3A_1022 : i32
          %parallel_loop3A_1024 = vector.broadcast %parallel_loop3A_1023 : i32 to vector<16xi32>
          %parallel_loop3A_1025 = arith.addi %parallel_loop3A_1024, %iota3A : vector<16xi32>
          %parallel_loop3A_1026 = tpu.vector_load_idx %arg6[%get3A_1012, %parallel_loop3A_1025] : memref<32x128xf32, #tpu.memory_space<vmem>>[vector<16xi32>, vector<16xi32>], vector<16xf32>,
          %parallel_loop3A_1027 = arith.constant 512 : i32
          %parallel_loop3A_1028 = arith.muli %parallel_loop3A_1021, %parallel_loop3A_1027 : i32
          %parallel_loop3A_1029 = vector.broadcast %parallel_loop3A_1028 : i32 to vector<16xi32>
          %parallel_loop3A_1030 = arith.addi %get3A_1017, %parallel_loop3A_1029 : vector<16xi32>
          tpu.vector_store_idx %arg10[%parallel_loop3A_1030], %parallel_loop3A_1026 : memref<4096xf32, #tpu.memory_space<vmem>>[vector<16xi32>], vector<16xf32>,
        } {sc.loop_unroll_factor = 8 : i64, sc.parallel_access}
      }
      %scan3A_911 = arith.constant 16 : i32
      %add3A_912 = arith.constant 4 : i32
      %add3A_913 = arith.addi %add3A_894, %add3A_912 : i32
      %lt3A_914 = arith.constant 244 : i32
      %lt3A_915 = arith.cmpi slt, %add3A_913, %lt3A_914 : i32
      %convert_element_type3A_916 = arith.extui %lt3A_915 : i1 to i32
      %cond3A_917 = arith.constant 0 : i32
      %cond3A_918 = arith.cmpi ne, %convert_element_type3A_916, %cond3A_917 : i32
      scf.if %cond3A_918 {
        %add3A_996 = arith.constant 4 : i32
        %add3A_997 = arith.addi %add3A_894, %add3A_996 : i32
        %mul3A_998 = arith.constant 32 : i32
        %mul3A_999 = arith.muli %mul3A_998, %add3A_997 : i32
        %add3A_1000 = arith.addi %add3A, %mul3A_999 : i32
        %mul3A_1001 = arith.constant 128 : i32
        %mul3A_1002 = arith.muli %add3A_1000, %mul3A_1001 : i32
        %dma_start3A_1003 = arith.constant 0 : i32
        %dma_start3A_1004 = tpu.memref_slice %arg2[%dma_start3A_1003, %mul3A_1002] : memref<32x1000000xf32, #tpu.memory_space<hbm>> -> memref<32x128xf32, #tpu.memory_space<hbm>>
        %dma_start3A_1005 = arith.constant 0 : i32
        %dma_start3A_1006 = tpu.memref_slice %arg2[%dma_start3A_1005, %mul3A_1002] : memref<32x1000000xf32, #tpu.memory_space<hbm>> -> memref<32x128xf32, #tpu.memory_space<hbm>>
        tpu.enqueue_dma source(%dma_start3A_1006 : memref<32x128xf32, #tpu.memory_space<hbm>>) target(%arg6 : memref<32x128xf32, #tpu.memory_space<vmem>>) target_semaphore(%arg16 : memref<!tpu.dma_semaphore, #tpu.memory_space<semaphore_mem>>)
      } else {
      }
      %mul3A_919 = arith.constant 32 : i32
      %mul3A_920 = arith.muli %mul3A_919, %add3A_894 : i32
      %add3A_921 = arith.addi %add3A, %mul3A_920 : i32
      %mul3A_922 = arith.constant 4096 : i32
      %mul3A_923 = arith.muli %add3A_921, %mul3A_922 : i32
      %dma_start3A_924 = tpu.memref_slice %arg4[%mul3A_923] : memref<32000000xf32, #tpu.memory_space<hbm>> -> memref<4096xf32, #tpu.memory_space<hbm>>
      %dma_start3A_925 = tpu.memref_slice %arg4[%mul3A_923] : memref<32000000xf32, #tpu.memory_space<hbm>> -> memref<4096xf32, #tpu.memory_space<hbm>>
      tpu.enqueue_dma source(%arg10 : memref<4096xf32, #tpu.memory_space<vmem>>) target(%dma_start3A_925 : memref<4096xf32, #tpu.memory_space<hbm>>) target_semaphore(%arg20 : memref<!tpu.dma_semaphore, #tpu.memory_space<semaphore_mem>>)
      %mul3A_926 = arith.constant 4 : i32
      %mul3A_927 = arith.muli %mul3A_926, %scan3A_856 : i32
      %add3A_928 = arith.constant 2 : i32
      %add3A_929 = arith.addi %mul3A_927, %add3A_928 : i32
      %dma_wait3A_930 = arith.constant 0 : i32
      %dma_wait3A_931 = arith.constant 0 : i32
      %dma_wait3A_932 = tpu.memref_slice %arg2[%dma_wait3A_930, %dma_wait3A_931] : memref<32x1000000xf32, #tpu.memory_space<hbm>> -> memref<32x128xf32, #tpu.memory_space<hbm>>
      %dma_wait3A_933 = arith.constant 0 : i32
      %dma_wait3A_934 = arith.constant 0 : i32
      %dma_wait3A_935 = tpu.memref_slice %arg2[%dma_wait3A_933, %dma_wait3A_934] : memref<32x1000000xf32, #tpu.memory_space<hbm>> -> memref<32x128xf32, #tpu.memory_space<hbm>>
      tpu.wait_dma2 semaphore(%arg17 : memref<!tpu.dma_semaphore, #tpu.memory_space<semaphore_mem>>) src(%dma_wait3A_935 : memref<32x128xf32, #tpu.memory_space<hbm>>) dst(%arg7 : memref<32x128xf32, #tpu.memory_space<vmem>>)
      %gt3A_936 = arith.constant 0 : i32
      %gt3A_937 = arith.cmpi sgt, %scan3A_856, %gt3A_936 : i32
      %convert_element_type3A_938 = arith.extui %gt3A_937 : i1 to i32
      %cond3A_939 = arith.constant 0 : i32
      %cond3A_940 = arith.cmpi ne, %convert_element_type3A_938, %cond3A_939 : i32
      scf.if %cond3A_940 {
        %dma_wait3A_996 = arith.constant 0 : i32
        %dma_wait3A_997 = tpu.memref_slice %arg4[%dma_wait3A_996] : memref<32000000xf32, #tpu.memory_space<hbm>> -> memref<4096xf32, #tpu.memory_space<hbm>>
        %dma_wait3A_998 = arith.constant 0 : i32
        %dma_wait3A_999 = tpu.memref_slice %arg4[%dma_wait3A_998] : memref<32000000xf32, #tpu.memory_space<hbm>> -> memref<4096xf32, #tpu.memory_space<hbm>>
        tpu.wait_dma2 semaphore(%arg21 : memref<!tpu.dma_semaphore, #tpu.memory_space<semaphore_mem>>) src(%arg11 : memref<4096xf32, #tpu.memory_space<vmem>>) dst(%dma_wait3A_999 : memref<4096xf32, #tpu.memory_space<hbm>>)
      } else {
      }
      %scan3A_941 = arith.constant 0 : i32
      %scan3A_942 = arith.constant 0 : i32
      %scan3A_943 = arith.constant 16 : i32
      %scan3A_944 = arith.addi %scan3A_942, %scan3A_943 : i32
      %scan3A_945 = arith.constant 1 : i32
      scf.for %scan3A_996 = %scan3A_942 to %scan3A_944 step %scan3A_945  : i32 {
        %get3A = arith.constant 0 : i32
        %get3A_997 = arith.index_cast %get3A : i32 to index
        %get3A_998 = arith.index_cast %scan3A_996 : i32 to index
        %get3A_999 = arith.constant 0 : index
        %get3A_1000 = tpu.vector_load %arg13[%get3A_997, %get3A_998, %get3A_999] {strides = array<i32>} : memref<2x16x16xi32, #tpu.memory_space<vmem>>, vector<16xi32>,
        %get3A_1001 = arith.constant 0 : i32
        %get3A_1002 = arith.index_cast %get3A_1001 : i32 to index
        %get3A_1003 = arith.index_cast %scan3A_996 : i32 to index
        %get3A_1004 = arith.constant 0 : index
        %get3A_1005 = tpu.vector_load %arg14[%get3A_1002, %get3A_1003, %get3A_1004] {strides = array<i32>} : memref<2x16x16xi32, #tpu.memory_space<vmem>>, vector<16xi32>,
        %parallel_loop3A = arith.constant 0 : i32
        %parallel_loop3A_1006 = arith.constant 8 : i32
        %parallel_loop3A_1007 = arith.constant 1 : i32
        scf.for %parallel_loop3A_1021 = %parallel_loop3A to %parallel_loop3A_1006 step %parallel_loop3A_1007  : i32 {
          %parallel_loop3A_1022 = arith.constant 16 : i32
          %parallel_loop3A_1023 = arith.muli %parallel_loop3A_1021, %parallel_loop3A_1022 : i32
          %parallel_loop3A_1024 = vector.broadcast %parallel_loop3A_1023 : i32 to vector<16xi32>
          %parallel_loop3A_1025 = arith.addi %parallel_loop3A_1024, %iota3A : vector<16xi32>
          %parallel_loop3A_1026 = tpu.vector_load_idx %arg7[%get3A_1000, %parallel_loop3A_1025] : memref<32x128xf32, #tpu.memory_space<vmem>>[vector<16xi32>, vector<16xi32>], vector<16xf32>,
          %parallel_loop3A_1027 = arith.constant 512 : i32
          %parallel_loop3A_1028 = arith.muli %parallel_loop3A_1021, %parallel_loop3A_1027 : i32
          %parallel_loop3A_1029 = vector.broadcast %parallel_loop3A_1028 : i32 to vector<16xi32>
          %parallel_loop3A_1030 = arith.addi %get3A_1005, %parallel_loop3A_1029 : vector<16xi32>
          tpu.vector_store_idx %arg11[%parallel_loop3A_1030], %parallel_loop3A_1026 : memref<4096xf32, #tpu.memory_space<vmem>>[vector<16xi32>], vector<16xf32>,
        } {sc.loop_unroll_factor = 8 : i64, sc.parallel_access}
        %get3A_1008 = arith.constant 1 : i32
        %get3A_1009 = arith.index_cast %get3A_1008 : i32 to index
        %get3A_1010 = arith.index_cast %scan3A_996 : i32 to index
        %get3A_1011 = arith.constant 0 : index
        %get3A_1012 = tpu.vector_load %arg13[%get3A_1009, %get3A_1010, %get3A_1011] {strides = array<i32>} : memref<2x16x16xi32, #tpu.memory_space<vmem>>, vector<16xi32>,
        %get3A_1013 = arith.constant 1 : i32
        %get3A_1014 = arith.index_cast %get3A_1013 : i32 to index
        %get3A_1015 = arith.index_cast %scan3A_996 : i32 to index
        %get3A_1016 = arith.constant 0 : index
        %get3A_1017 = tpu.vector_load %arg14[%get3A_1014, %get3A_1015, %get3A_1016] {strides = array<i32>} : memref<2x16x16xi32, #tpu.memory_space<vmem>>, vector<16xi32>,
        %parallel_loop3A_1018 = arith.constant 0 : i32
        %parallel_loop3A_1019 = arith.constant 8 : i32
        %parallel_loop3A_1020 = arith.constant 1 : i32
        scf.for %parallel_loop3A_1021 = %parallel_loop3A_1018 to %parallel_loop3A_1019 step %parallel_loop3A_1020  : i32 {
          %parallel_loop3A_1022 = arith.constant 16 : i32
          %parallel_loop3A_1023 = arith.muli %parallel_loop3A_1021, %parallel_loop3A_1022 : i32
          %parallel_loop3A_1024 = vector.broadcast %parallel_loop3A_1023 : i32 to vector<16xi32>
          %parallel_loop3A_1025 = arith.addi %parallel_loop3A_1024, %iota3A : vector<16xi32>
          %parallel_loop3A_1026 = tpu.vector_load_idx %arg7[%get3A_1012, %parallel_loop3A_1025] : memref<32x128xf32, #tpu.memory_space<vmem>>[vector<16xi32>, vector<16xi32>], vector<16xf32>,
          %parallel_loop3A_1027 = arith.constant 512 : i32
          %parallel_loop3A_1028 = arith.muli %parallel_loop3A_1021, %parallel_loop3A_1027 : i32
          %parallel_loop3A_1029 = vector.broadcast %parallel_loop3A_1028 : i32 to vector<16xi32>
          %parallel_loop3A_1030 = arith.addi %get3A_1017, %parallel_loop3A_1029 : vector<16xi32>
          tpu.vector_store_idx %arg11[%parallel_loop3A_1030], %parallel_loop3A_1026 : memref<4096xf32, #tpu.memory_space<vmem>>[vector<16xi32>], vector<16xf32>,
        } {sc.loop_unroll_factor = 8 : i64, sc.parallel_access}
      }
      %scan3A_946 = arith.constant 16 : i32
      %add3A_947 = arith.constant 4 : i32
      %add3A_948 = arith.addi %add3A_929, %add3A_947 : i32
      %lt3A_949 = arith.constant 244 : i32
      %lt3A_950 = arith.cmpi slt, %add3A_948, %lt3A_949 : i32
      %convert_element_type3A_951 = arith.extui %lt3A_950 : i1 to i32
      %cond3A_952 = arith.constant 0 : i32
      %cond3A_953 = arith.cmpi ne, %convert_element_type3A_951, %cond3A_952 : i32
      scf.if %cond3A_953 {
        %add3A_996 = arith.constant 4 : i32
        %add3A_997 = arith.addi %add3A_929, %add3A_996 : i32
        %mul3A_998 = arith.constant 32 : i32
        %mul3A_999 = arith.muli %mul3A_998, %add3A_997 : i32
        %add3A_1000 = arith.addi %add3A, %mul3A_999 : i32
        %mul3A_1001 = arith.constant 128 : i32
        %mul3A_1002 = arith.muli %add3A_1000, %mul3A_1001 : i32
        %dma_start3A_1003 = arith.constant 0 : i32
        %dma_start3A_1004 = tpu.memref_slice %arg2[%dma_start3A_1003, %mul3A_1002] : memref<32x1000000xf32, #tpu.memory_space<hbm>> -> memref<32x128xf32, #tpu.memory_space<hbm>>
        %dma_start3A_1005 = arith.constant 0 : i32
        %dma_start3A_1006 = tpu.memref_slice %arg2[%dma_start3A_1005, %mul3A_1002] : memref<32x1000000xf32, #tpu.memory_space<hbm>> -> memref<32x128xf32, #tpu.memory_space<hbm>>
        tpu.enqueue_dma source(%dma_start3A_1006 : memref<32x128xf32, #tpu.memory_space<hbm>>) target(%arg7 : memref<32x128xf32, #tpu.memory_space<vmem>>) target_semaphore(%arg17 : memref<!tpu.dma_semaphore, #tpu.memory_space<semaphore_mem>>)
      } else {
      }
      %mul3A_954 = arith.constant 32 : i32
      %mul3A_955 = arith.muli %mul3A_954, %add3A_929 : i32
      %add3A_956 = arith.addi %add3A, %mul3A_955 : i32
      %mul3A_957 = arith.constant 4096 : i32
      %mul3A_958 = arith.muli %add3A_956, %mul3A_957 : i32
      %dma_start3A_959 = tpu.memref_slice %arg4[%mul3A_958] : memref<32000000xf32, #tpu.memory_space<hbm>> -> memref<4096xf32, #tpu.memory_space<hbm>>
      %dma_start3A_960 = tpu.memref_slice %arg4[%mul3A_958] : memref<32000000xf32, #tpu.memory_space<hbm>> -> memref<4096xf32, #tpu.memory_space<hbm>>
      tpu.enqueue_dma source(%arg11 : memref<4096xf32, #tpu.memory_space<vmem>>) target(%dma_start3A_960 : memref<4096xf32, #tpu.memory_space<hbm>>) target_semaphore(%arg21 : memref<!tpu.dma_semaphore, #tpu.memory_space<semaphore_mem>>)
      %mul3A_961 = arith.constant 4 : i32
      %mul3A_962 = arith.muli %mul3A_961, %scan3A_856 : i32
      %add3A_963 = arith.constant 3 : i32
      %add3A_964 = arith.addi %mul3A_962, %add3A_963 : i32
      %dma_wait3A_965 = arith.constant 0 : i32
      %dma_wait3A_966 = arith.constant 0 : i32
      %dma_wait3A_967 = tpu.memref_slice %arg2[%dma_wait3A_965, %dma_wait3A_966] : memref<32x1000000xf32, #tpu.memory_space<hbm>> -> memref<32x128xf32, #tpu.memory_space<hbm>>
      %dma_wait3A_968 = arith.constant 0 : i32
      %dma_wait3A_969 = arith.constant 0 : i32
      %dma_wait3A_970 = tpu.memref_slice %arg2[%dma_wait3A_968, %dma_wait3A_969] : memref<32x1000000xf32, #tpu.memory_space<hbm>> -> memref<32x128xf32, #tpu.memory_space<hbm>>
      tpu.wait_dma2 semaphore(%arg18 : memref<!tpu.dma_semaphore, #tpu.memory_space<semaphore_mem>>) src(%dma_wait3A_970 : memref<32x128xf32, #tpu.memory_space<hbm>>) dst(%arg8 : memref<32x128xf32, #tpu.memory_space<vmem>>)
      %gt3A_971 = arith.constant 0 : i32
      %gt3A_972 = arith.cmpi sgt, %scan3A_856, %gt3A_971 : i32
      %convert_element_type3A_973 = arith.extui %gt3A_972 : i1 to i32
      %cond3A_974 = arith.constant 0 : i32
      %cond3A_975 = arith.cmpi ne, %convert_element_type3A_973, %cond3A_974 : i32
      scf.if %cond3A_975 {
        %dma_wait3A_996 = arith.constant 0 : i32
        %dma_wait3A_997 = tpu.memref_slice %arg4[%dma_wait3A_996] : memref<32000000xf32, #tpu.memory_space<hbm>> -> memref<4096xf32, #tpu.memory_space<hbm>>
        %dma_wait3A_998 = arith.constant 0 : i32
        %dma_wait3A_999 = tpu.memref_slice %arg4[%dma_wait3A_998] : memref<32000000xf32, #tpu.memory_space<hbm>> -> memref<4096xf32, #tpu.memory_space<hbm>>
        tpu.wait_dma2 semaphore(%arg22 : memref<!tpu.dma_semaphore, #tpu.memory_space<semaphore_mem>>) src(%arg12 : memref<4096xf32, #tpu.memory_space<vmem>>) dst(%dma_wait3A_999 : memref<4096xf32, #tpu.memory_space<hbm>>)
      } else {
      }
      %scan3A_976 = arith.constant 0 : i32
      %scan3A_977 = arith.constant 0 : i32
      %scan3A_978 = arith.constant 16 : i32
      %scan3A_979 = arith.addi %scan3A_977, %scan3A_978 : i32
      %scan3A_980 = arith.constant 1 : i32
      scf.for %scan3A_996 = %scan3A_977 to %scan3A_979 step %scan3A_980  : i32 {
        %get3A = arith.constant 0 : i32
        %get3A_997 = arith.index_cast %get3A : i32 to index
        %get3A_998 = arith.index_cast %scan3A_996 : i32 to index
        %get3A_999 = arith.constant 0 : index
        %get3A_1000 = tpu.vector_load %arg13[%get3A_997, %get3A_998, %get3A_999] {strides = array<i32>} : memref<2x16x16xi32, #tpu.memory_space<vmem>>, vector<16xi32>,
        %get3A_1001 = arith.constant 0 : i32
        %get3A_1002 = arith.index_cast %get3A_1001 : i32 to index
        %get3A_1003 = arith.index_cast %scan3A_996 : i32 to index
        %get3A_1004 = arith.constant 0 : index
        %get3A_1005 = tpu.vector_load %arg14[%get3A_1002, %get3A_1003, %get3A_1004] {strides = array<i32>} : memref<2x16x16xi32, #tpu.memory_space<vmem>>, vector<16xi32>,
        %parallel_loop3A = arith.constant 0 : i32
        %parallel_loop3A_1006 = arith.constant 8 : i32
        %parallel_loop3A_1007 = arith.constant 1 : i32
        scf.for %parallel_loop3A_1021 = %parallel_loop3A to %parallel_loop3A_1006 step %parallel_loop3A_1007  : i32 {
          %parallel_loop3A_1022 = arith.constant 16 : i32
          %parallel_loop3A_1023 = arith.muli %parallel_loop3A_1021, %parallel_loop3A_1022 : i32
          %parallel_loop3A_1024 = vector.broadcast %parallel_loop3A_1023 : i32 to vector<16xi32>
          %parallel_loop3A_1025 = arith.addi %parallel_loop3A_1024, %iota3A : vector<16xi32>
          %parallel_loop3A_1026 = tpu.vector_load_idx %arg8[%get3A_1000, %parallel_loop3A_1025] : memref<32x128xf32, #tpu.memory_space<vmem>>[vector<16xi32>, vector<16xi32>], vector<16xf32>,
          %parallel_loop3A_1027 = arith.constant 512 : i32
          %parallel_loop3A_1028 = arith.muli %parallel_loop3A_1021, %parallel_loop3A_1027 : i32
          %parallel_loop3A_1029 = vector.broadcast %parallel_loop3A_1028 : i32 to vector<16xi32>
          %parallel_loop3A_1030 = arith.addi %get3A_1005, %parallel_loop3A_1029 : vector<16xi32>
          tpu.vector_store_idx %arg12[%parallel_loop3A_1030], %parallel_loop3A_1026 : memref<4096xf32, #tpu.memory_space<vmem>>[vector<16xi32>], vector<16xf32>,
        } {sc.loop_unroll_factor = 8 : i64, sc.parallel_access}
        %get3A_1008 = arith.constant 1 : i32
        %get3A_1009 = arith.index_cast %get3A_1008 : i32 to index
        %get3A_1010 = arith.index_cast %scan3A_996 : i32 to index
        %get3A_1011 = arith.constant 0 : index
        %get3A_1012 = tpu.vector_load %arg13[%get3A_1009, %get3A_1010, %get3A_1011] {strides = array<i32>} : memref<2x16x16xi32, #tpu.memory_space<vmem>>, vector<16xi32>,
        %get3A_1013 = arith.constant 1 : i32
        %get3A_1014 = arith.index_cast %get3A_1013 : i32 to index
        %get3A_1015 = arith.index_cast %scan3A_996 : i32 to index
        %get3A_1016 = arith.constant 0 : index
        %get3A_1017 = tpu.vector_load %arg14[%get3A_1014, %get3A_1015, %get3A_1016] {strides = array<i32>} : memref<2x16x16xi32, #tpu.memory_space<vmem>>, vector<16xi32>,
        %parallel_loop3A_1018 = arith.constant 0 : i32
        %parallel_loop3A_1019 = arith.constant 8 : i32
        %parallel_loop3A_1020 = arith.constant 1 : i32
        scf.for %parallel_loop3A_1021 = %parallel_loop3A_1018 to %parallel_loop3A_1019 step %parallel_loop3A_1020  : i32 {
          %parallel_loop3A_1022 = arith.constant 16 : i32
          %parallel_loop3A_1023 = arith.muli %parallel_loop3A_1021, %parallel_loop3A_1022 : i32
          %parallel_loop3A_1024 = vector.broadcast %parallel_loop3A_1023 : i32 to vector<16xi32>
          %parallel_loop3A_1025 = arith.addi %parallel_loop3A_1024, %iota3A : vector<16xi32>
          %parallel_loop3A_1026 = tpu.vector_load_idx %arg8[%get3A_1012, %parallel_loop3A_1025] : memref<32x128xf32, #tpu.memory_space<vmem>>[vector<16xi32>, vector<16xi32>], vector<16xf32>,
          %parallel_loop3A_1027 = arith.constant 512 : i32
          %parallel_loop3A_1028 = arith.muli %parallel_loop3A_1021, %parallel_loop3A_1027 : i32
          %parallel_loop3A_1029 = vector.broadcast %parallel_loop3A_1028 : i32 to vector<16xi32>
          %parallel_loop3A_1030 = arith.addi %get3A_1017, %parallel_loop3A_1029 : vector<16xi32>
          tpu.vector_store_idx %arg12[%parallel_loop3A_1030], %parallel_loop3A_1026 : memref<4096xf32, #tpu.memory_space<vmem>>[vector<16xi32>], vector<16xf32>,
        } {sc.loop_unroll_factor = 8 : i64, sc.parallel_access}
      }
      %scan3A_981 = arith.constant 16 : i32
      %add3A_982 = arith.constant 4 : i32
      %add3A_983 = arith.addi %add3A_964, %add3A_982 : i32
      %lt3A_984 = arith.constant 244 : i32
      %lt3A_985 = arith.cmpi slt, %add3A_983, %lt3A_984 : i32
      %convert_element_type3A_986 = arith.extui %lt3A_985 : i1 to i32
      %cond3A_987 = arith.constant 0 : i32
      %cond3A_988 = arith.cmpi ne, %convert_element_type3A_986, %cond3A_987 : i32
      scf.if %cond3A_988 {
        %add3A_996 = arith.constant 4 : i32
        %add3A_997 = arith.addi %add3A_964, %add3A_996 : i32
        %mul3A_998 = arith.constant 32 : i32
        %mul3A_999 = arith.muli %mul3A_998, %add3A_997 : i32
        %add3A_1000 = arith.addi %add3A, %mul3A_999 : i32
        %mul3A_1001 = arith.constant 128 : i32
        %mul3A_1002 = arith.muli %add3A_1000, %mul3A_1001 : i32
        %dma_start3A_1003 = arith.constant 0 : i32
        %dma_start3A_1004 = tpu.memref_slice %arg2[%dma_start3A_1003, %mul3A_1002] : memref<32x1000000xf32, #tpu.memory_space<hbm>> -> memref<32x128xf32, #tpu.memory_space<hbm>>
        %dma_start3A_1005 = arith.constant 0 : i32
        %dma_start3A_1006 = tpu.memref_slice %arg2[%dma_start3A_1005, %mul3A_1002] : memref<32x1000000xf32, #tpu.memory_space<hbm>> -> memref<32x128xf32, #tpu.memory_space<hbm>>
        tpu.enqueue_dma source(%dma_start3A_1006 : memref<32x128xf32, #tpu.memory_space<hbm>>) target(%arg8 : memref<32x128xf32, #tpu.memory_space<vmem>>) target_semaphore(%arg18 : memref<!tpu.dma_semaphore, #tpu.memory_space<semaphore_mem>>)
      } else {
      }
      %mul3A_989 = arith.constant 32 : i32
      %mul3A_990 = arith.muli %mul3A_989, %add3A_964 : i32
      %add3A_991 = arith.addi %add3A, %mul3A_990 : i32
      %mul3A_992 = arith.constant 4096 : i32
      %mul3A_993 = arith.muli %add3A_991, %mul3A_992 : i32
      %dma_start3A_994 = tpu.memref_slice %arg4[%mul3A_993] : memref<32000000xf32, #tpu.memory_space<hbm>> -> memref<4096xf32, #tpu.memory_space<hbm>>
      %dma_start3A_995 = tpu.memref_slice %arg4[%mul3A_993] : memref<32000000xf32, #tpu.memory_space<hbm>> -> memref<4096xf32, #tpu.memory_space<hbm>>
      tpu.enqueue_dma source(%arg12 : memref<4096xf32, #tpu.memory_space<vmem>>) target(%dma_start3A_995 : memref<4096xf32, #tpu.memory_space<hbm>>) target_semaphore(%arg22 : memref<!tpu.dma_semaphore, #tpu.memory_space<semaphore_mem>>)
    }
    %scan3A_834 = arith.constant 61 : i32
    %dma_wait3A = arith.constant 0 : i32
    %dma_wait3A_835 = tpu.memref_slice %arg4[%dma_wait3A] : memref<32000000xf32, #tpu.memory_space<hbm>> -> memref<4096xf32, #tpu.memory_space<hbm>>
    %dma_wait3A_836 = arith.constant 0 : i32
    %dma_wait3A_837 = tpu.memref_slice %arg4[%dma_wait3A_836] : memref<32000000xf32, #tpu.memory_space<hbm>> -> memref<4096xf32, #tpu.memory_space<hbm>>
    tpu.wait_dma2 semaphore(%arg19 : memref<!tpu.dma_semaphore, #tpu.memory_space<semaphore_mem>>) src(%arg9 : memref<4096xf32, #tpu.memory_space<vmem>>) dst(%dma_wait3A_837 : memref<4096xf32, #tpu.memory_space<hbm>>)
    %dma_wait3A_838 = arith.constant 0 : i32
    %dma_wait3A_839 = tpu.memref_slice %arg4[%dma_wait3A_838] : memref<32000000xf32, #tpu.memory_space<hbm>> -> memref<4096xf32, #tpu.memory_space<hbm>>
    %dma_wait3A_840 = arith.constant 0 : i32
    %dma_wait3A_841 = tpu.memref_slice %arg4[%dma_wait3A_840] : memref<32000000xf32, #tpu.memory_space<hbm>> -> memref<4096xf32, #tpu.memory_space<hbm>>
    tpu.wait_dma2 semaphore(%arg20 : memref<!tpu.dma_semaphore, #tpu.memory_space<semaphore_mem>>) src(%arg10 : memref<4096xf32, #tpu.memory_space<vmem>>) dst(%dma_wait3A_841 : memref<4096xf32, #tpu.memory_space<hbm>>)
    %dma_wait3A_842 = arith.constant 0 : i32
    %dma_wait3A_843 = tpu.memref_slice %arg4[%dma_wait3A_842] : memref<32000000xf32, #tpu.memory_space<hbm>> -> memref<4096xf32, #tpu.memory_space<hbm>>
    %dma_wait3A_844 = arith.constant 0 : i32
    %dma_wait3A_845 = tpu.memref_slice %arg4[%dma_wait3A_844] : memref<32000000xf32, #tpu.memory_space<hbm>> -> memref<4096xf32, #tpu.memory_space<hbm>>
    tpu.wait_dma2 semaphore(%arg21 : memref<!tpu.dma_semaphore, #tpu.memory_space<semaphore_mem>>) src(%arg11 : memref<4096xf32, #tpu.memory_space<vmem>>) dst(%dma_wait3A_845 : memref<4096xf32, #tpu.memory_space<hbm>>)
    %dma_wait3A_846 = arith.constant 0 : i32
    %dma_wait3A_847 = tpu.memref_slice %arg4[%dma_wait3A_846] : memref<32000000xf32, #tpu.memory_space<hbm>> -> memref<4096xf32, #tpu.memory_space<hbm>>
    %dma_wait3A_848 = arith.constant 0 : i32
    %dma_wait3A_849 = tpu.memref_slice %arg4[%dma_wait3A_848] : memref<32000000xf32, #tpu.memory_space<hbm>> -> memref<4096xf32, #tpu.memory_space<hbm>>
    tpu.wait_dma2 semaphore(%arg22 : memref<!tpu.dma_semaphore, #tpu.memory_space<semaphore_mem>>) src(%arg12 : memref<4096xf32, #tpu.memory_space<vmem>>) dst(%dma_wait3A_849 : memref<4096xf32, #tpu.memory_space<hbm>>)
    %lt3A = arith.constant 4 : i32
    %lt3A_850 = arith.cmpi slt, %add3A, %lt3A : i32
    %convert_element_type3A = arith.extui %lt3A_850 : i1 to i32
    %cond3A = arith.constant 0 : i32
    %cond3A_851 = arith.cmpi ne, %convert_element_type3A, %cond3A : i32
    scf.if %cond3A_851 {
      %add3A_856 = arith.constant 7808 : i32
      %add3A_857 = arith.addi %add3A_856, %add3A : i32
      %mul3A_858 = arith.constant 128 : i32
      %mul3A_859 = arith.muli %add3A_857, %mul3A_858 : i32
      "tpu.region"() ({
        %run_scoped3A = tpu.sem_alloc : memref<!tpu.dma_semaphore, #tpu.memory_space<semaphore_mem>>
        %dma_start3A_868 = arith.constant 0 : i32
        %dma_start3A_869 = tpu.memref_slice %arg2[%dma_start3A_868, %mul3A_859] : memref<32x1000000xf32, #tpu.memory_space<hbm>> -> memref<32x128xf32, #tpu.memory_space<hbm>>
        %dma_start3A_870 = arith.constant 0 : i32
        %dma_start3A_871 = tpu.memref_slice %arg2[%dma_start3A_870, %mul3A_859] : memref<32x1000000xf32, #tpu.memory_space<hbm>> -> memref<32x128xf32, #tpu.memory_space<hbm>>
        tpu.enqueue_dma source(%dma_start3A_871 : memref<32x128xf32, #tpu.memory_space<hbm>>) target(%arg5 : memref<32x128xf32, #tpu.memory_space<vmem>>) target_semaphore(%run_scoped3A : memref<!tpu.dma_semaphore, #tpu.memory_space<semaphore_mem>>)
        %dma_wait3A_872 = arith.constant 0 : i32
        %dma_wait3A_873 = tpu.memref_slice %arg2[%dma_wait3A_872, %mul3A_859] : memref<32x1000000xf32, #tpu.memory_space<hbm>> -> memref<32x128xf32, #tpu.memory_space<hbm>>
        %dma_wait3A_874 = arith.constant 0 : i32
        %dma_wait3A_875 = tpu.memref_slice %arg2[%dma_wait3A_874, %mul3A_859] : memref<32x1000000xf32, #tpu.memory_space<hbm>> -> memref<32x128xf32, #tpu.memory_space<hbm>>
        tpu.wait_dma2 semaphore(%run_scoped3A : memref<!tpu.dma_semaphore, #tpu.memory_space<semaphore_mem>>) src(%dma_wait3A_875 : memref<32x128xf32, #tpu.memory_space<hbm>>) dst(%arg5 : memref<32x128xf32, #tpu.memory_space<vmem>>)
        tpu.yield
      }) : () -> ()
      %scan3A_860 = arith.constant 0 : i32
      %scan3A_861 = arith.constant 0 : i32
      %scan3A_862 = arith.constant 16 : i32
      %scan3A_863 = arith.addi %scan3A_861, %scan3A_862 : i32
      %scan3A_864 = arith.constant 1 : i32
      scf.for %scan3A_868 = %scan3A_861 to %scan3A_863 step %scan3A_864  : i32 {
        %get3A = arith.constant 0 : i32
        %get3A_869 = arith.index_cast %get3A : i32 to index
        %get3A_870 = arith.index_cast %scan3A_868 : i32 to index
        %get3A_871 = arith.constant 0 : index
        %get3A_872 = tpu.vector_load %arg13[%get3A_869, %get3A_870, %get3A_871] {strides = array<i32>} : memref<2x16x16xi32, #tpu.memory_space<vmem>>, vector<16xi32>,
        %get3A_873 = arith.constant 0 : i32
        %get3A_874 = arith.index_cast %get3A_873 : i32 to index
        %get3A_875 = arith.index_cast %scan3A_868 : i32 to index
        %get3A_876 = arith.constant 0 : index
        %get3A_877 = tpu.vector_load %arg14[%get3A_874, %get3A_875, %get3A_876] {strides = array<i32>} : memref<2x16x16xi32, #tpu.memory_space<vmem>>, vector<16xi32>,
        %parallel_loop3A = arith.constant 0 : i32
        %parallel_loop3A_878 = arith.constant 8 : i32
        %parallel_loop3A_879 = arith.constant 1 : i32
        scf.for %parallel_loop3A_893 = %parallel_loop3A to %parallel_loop3A_878 step %parallel_loop3A_879  : i32 {
          %parallel_loop3A_894 = arith.constant 16 : i32
          %parallel_loop3A_895 = arith.muli %parallel_loop3A_893, %parallel_loop3A_894 : i32
          %parallel_loop3A_896 = vector.broadcast %parallel_loop3A_895 : i32 to vector<16xi32>
          %parallel_loop3A_897 = arith.addi %parallel_loop3A_896, %iota3A : vector<16xi32>
          %parallel_loop3A_898 = tpu.vector_load_idx %arg5[%get3A_872, %parallel_loop3A_897] : memref<32x128xf32, #tpu.memory_space<vmem>>[vector<16xi32>, vector<16xi32>], vector<16xf32>,
          %parallel_loop3A_899 = arith.constant 512 : i32
          %parallel_loop3A_900 = arith.muli %parallel_loop3A_893, %parallel_loop3A_899 : i32
          %parallel_loop3A_901 = vector.broadcast %parallel_loop3A_900 : i32 to vector<16xi32>
          %parallel_loop3A_902 = arith.addi %get3A_877, %parallel_loop3A_901 : vector<16xi32>
          tpu.vector_store_idx %arg9[%parallel_loop3A_902], %parallel_loop3A_898 : memref<4096xf32, #tpu.memory_space<vmem>>[vector<16xi32>], vector<16xf32>,
        } {sc.loop_unroll_factor = 8 : i64, sc.parallel_access}
        %get3A_880 = arith.constant 1 : i32
        %get3A_881 = arith.index_cast %get3A_880 : i32 to index
        %get3A_882 = arith.index_cast %scan3A_868 : i32 to index
        %get3A_883 = arith.constant 0 : index
        %get3A_884 = tpu.vector_load %arg13[%get3A_881, %get3A_882, %get3A_883] {strides = array<i32>} : memref<2x16x16xi32, #tpu.memory_space<vmem>>, vector<16xi32>,
        %get3A_885 = arith.constant 1 : i32
        %get3A_886 = arith.index_cast %get3A_885 : i32 to index
        %get3A_887 = arith.index_cast %scan3A_868 : i32 to index
        %get3A_888 = arith.constant 0 : index
        %get3A_889 = tpu.vector_load %arg14[%get3A_886, %get3A_887, %get3A_888] {strides = array<i32>} : memref<2x16x16xi32, #tpu.memory_space<vmem>>, vector<16xi32>,
        %parallel_loop3A_890 = arith.constant 0 : i32
        %parallel_loop3A_891 = arith.constant 8 : i32
        %parallel_loop3A_892 = arith.constant 1 : i32
        scf.for %parallel_loop3A_893 = %parallel_loop3A_890 to %parallel_loop3A_891 step %parallel_loop3A_892  : i32 {
          %parallel_loop3A_894 = arith.constant 16 : i32
          %parallel_loop3A_895 = arith.muli %parallel_loop3A_893, %parallel_loop3A_894 : i32
          %parallel_loop3A_896 = vector.broadcast %parallel_loop3A_895 : i32 to vector<16xi32>
          %parallel_loop3A_897 = arith.addi %parallel_loop3A_896, %iota3A : vector<16xi32>
          %parallel_loop3A_898 = tpu.vector_load_idx %arg5[%get3A_884, %parallel_loop3A_897] : memref<32x128xf32, #tpu.memory_space<vmem>>[vector<16xi32>, vector<16xi32>], vector<16xf32>,
          %parallel_loop3A_899 = arith.constant 512 : i32
          %parallel_loop3A_900 = arith.muli %parallel_loop3A_893, %parallel_loop3A_899 : i32
          %parallel_loop3A_901 = vector.broadcast %parallel_loop3A_900 : i32 to vector<16xi32>
          %parallel_loop3A_902 = arith.addi %get3A_889, %parallel_loop3A_901 : vector<16xi32>
          tpu.vector_store_idx %arg9[%parallel_loop3A_902], %parallel_loop3A_898 : memref<4096xf32, #tpu.memory_space<vmem>>[vector<16xi32>], vector<16xf32>,
        } {sc.loop_unroll_factor = 8 : i64, sc.parallel_access}
      }
      %scan3A_865 = arith.constant 16 : i32
      %mul3A_866 = arith.constant 4096 : i32
      %mul3A_867 = arith.muli %add3A_857, %mul3A_866 : i32
      "tpu.region"() ({
        %run_scoped3A = tpu.sem_alloc : memref<!tpu.dma_semaphore, #tpu.memory_space<semaphore_mem>>
        %dma_start3A_868 = tpu.memref_slice %arg4[%mul3A_867] : memref<32000000xf32, #tpu.memory_space<hbm>> -> memref<4096xf32, #tpu.memory_space<hbm>>
        %dma_start3A_869 = tpu.memref_slice %arg4[%mul3A_867] : memref<32000000xf32, #tpu.memory_space<hbm>> -> memref<4096xf32, #tpu.memory_space<hbm>>
        tpu.enqueue_dma source(%arg9 : memref<4096xf32, #tpu.memory_space<vmem>>) target(%dma_start3A_869 : memref<4096xf32, #tpu.memory_space<hbm>>) target_semaphore(%run_scoped3A : memref<!tpu.dma_semaphore, #tpu.memory_space<semaphore_mem>>)
        %dma_wait3A_870 = tpu.memref_slice %arg4[%mul3A_867] : memref<32000000xf32, #tpu.memory_space<hbm>> -> memref<4096xf32, #tpu.memory_space<hbm>>
        %dma_wait3A_871 = tpu.memref_slice %arg4[%mul3A_867] : memref<32000000xf32, #tpu.memory_space<hbm>> -> memref<4096xf32, #tpu.memory_space<hbm>>
        tpu.wait_dma2 semaphore(%run_scoped3A : memref<!tpu.dma_semaphore, #tpu.memory_space<semaphore_mem>>) src(%arg9 : memref<4096xf32, #tpu.memory_space<vmem>>) dst(%dma_wait3A_871 : memref<4096xf32, #tpu.memory_space<hbm>>)
        tpu.yield
      }) : () -> ()
    } else {
    }
    %eq3A = arith.constant 4 : i32
    %eq3A_852 = arith.cmpi eq, %add3A, %eq3A : i32
    %convert_element_type3A_853 = arith.extui %eq3A_852 : i1 to i32
    %cond3A_854 = arith.constant 0 : i32
    %cond3A_855 = arith.cmpi ne, %convert_element_type3A_853, %cond3A_854 : i32
    scf.if %cond3A_855 {
      "tpu.region"() ({
        %run_scoped3A = tpu.sem_alloc : memref<!tpu.dma_semaphore, #tpu.memory_space<semaphore_mem>>
        %dma_start3A_856 = arith.constant 0 : i32
        %dma_start3A_857 = tpu.memref_slice %arg9[%dma_start3A_856] : memref<4096xf32, #tpu.memory_space<vmem>> -> memref<2048xf32, #tpu.memory_space<vmem>>
        %dma_start3A_858 = arith.constant 0 : i32
        %dma_start3A_859 = tpu.memref_slice %arg9[%dma_start3A_858] : memref<4096xf32, #tpu.memory_space<vmem>> -> memref<2048xf32, #tpu.memory_space<vmem>>
        tpu.enqueue_dma source(%arg3 : memref<2048xf32, #tpu.memory_space<hbm>>) target(%dma_start3A_859 : memref<2048xf32, #tpu.memory_space<vmem>>) target_semaphore(%run_scoped3A : memref<!tpu.dma_semaphore, #tpu.memory_space<semaphore_mem>>)
        %dma_wait3A_860 = arith.constant 0 : i32
        %dma_wait3A_861 = tpu.memref_slice %arg9[%dma_wait3A_860] : memref<4096xf32, #tpu.memory_space<vmem>> -> memref<2048xf32, #tpu.memory_space<vmem>>
        %dma_wait3A_862 = arith.constant 0 : i32
        %dma_wait3A_863 = tpu.memref_slice %arg9[%dma_wait3A_862] : memref<4096xf32, #tpu.memory_space<vmem>> -> memref<2048xf32, #tpu.memory_space<vmem>>
        tpu.wait_dma2 semaphore(%run_scoped3A : memref<!tpu.dma_semaphore, #tpu.memory_space<semaphore_mem>>) src(%arg3 : memref<2048xf32, #tpu.memory_space<hbm>>) dst(%dma_wait3A_863 : memref<2048xf32, #tpu.memory_space<vmem>>)
        tpu.yield
      }) : () -> ()
      "tpu.region"() ({
        %run_scoped3A = tpu.sem_alloc : memref<!tpu.dma_semaphore, #tpu.memory_space<semaphore_mem>>
        %dma_start3A_856 = arith.constant 0 : i32
        %dma_start3A_857 = tpu.memref_slice %arg9[%dma_start3A_856] : memref<4096xf32, #tpu.memory_space<vmem>> -> memref<2048xf32, #tpu.memory_space<vmem>>
        %dma_start3A_858 = arith.constant 31997952 : i32
        %dma_start3A_859 = tpu.memref_slice %arg4[%dma_start3A_858] : memref<32000000xf32, #tpu.memory_space<hbm>> -> memref<2048xf32, #tpu.memory_space<hbm>>
        %dma_start3A_860 = arith.constant 31997952 : i32
        %dma_start3A_861 = tpu.memref_slice %arg4[%dma_start3A_860] : memref<32000000xf32, #tpu.memory_space<hbm>> -> memref<2048xf32, #tpu.memory_space<hbm>>
        %dma_start3A_862 = arith.constant 0 : i32
        %dma_start3A_863 = tpu.memref_slice %arg9[%dma_start3A_862] : memref<4096xf32, #tpu.memory_space<vmem>> -> memref<2048xf32, #tpu.memory_space<vmem>>
        tpu.enqueue_dma source(%dma_start3A_863 : memref<2048xf32, #tpu.memory_space<vmem>>) target(%dma_start3A_861 : memref<2048xf32, #tpu.memory_space<hbm>>) target_semaphore(%run_scoped3A : memref<!tpu.dma_semaphore, #tpu.memory_space<semaphore_mem>>)
        %dma_wait3A_864 = arith.constant 0 : i32
        %dma_wait3A_865 = tpu.memref_slice %arg9[%dma_wait3A_864] : memref<4096xf32, #tpu.memory_space<vmem>> -> memref<2048xf32, #tpu.memory_space<vmem>>
        %dma_wait3A_866 = arith.constant 31997952 : i32
        %dma_wait3A_867 = tpu.memref_slice %arg4[%dma_wait3A_866] : memref<32000000xf32, #tpu.memory_space<hbm>> -> memref<2048xf32, #tpu.memory_space<hbm>>
        %dma_wait3A_868 = arith.constant 31997952 : i32
        %dma_wait3A_869 = tpu.memref_slice %arg4[%dma_wait3A_868] : memref<32000000xf32, #tpu.memory_space<hbm>> -> memref<2048xf32, #tpu.memory_space<hbm>>
        %dma_wait3A_870 = arith.constant 0 : i32
        %dma_wait3A_871 = tpu.memref_slice %arg9[%dma_wait3A_870] : memref<4096xf32, #tpu.memory_space<vmem>> -> memref<2048xf32, #tpu.memory_space<vmem>>
        tpu.wait_dma2 semaphore(%run_scoped3A : memref<!tpu.dma_semaphore, #tpu.memory_space<semaphore_mem>>) src(%dma_wait3A_871 : memref<2048xf32, #tpu.memory_space<vmem>>) dst(%dma_wait3A_869 : memref<2048xf32, #tpu.memory_space<hbm>>)
        tpu.yield
      }) : () -> ()
    } else {
    }
    return
  }
}

</mosaic_0001>

<sc_bundles>
// kernel: _rows_call.3.cloned.1.call-start
scs
__scs_entry_jumppad:
0x0: {  	(pc) =	sbr.rel $0x88, $3  }
0x1: {  	(tag) =	ssettag $0x0;
	lr =	simm.s32 $0x1  }
0x2: {  	[smem:$0x3F9F] =	sst lr;
	_ =	strace $0xD0000000  }
0x3: {  	_ = 	snop  }
0x4: {  	_ = 	snop  }
0x5: {  	_ = 	snop  }
0x6: {  	_ = 	snop  }
0x7: {  	_ = 	snop  }
__scs_overlays_trampoline_lowered:
0x8: {  	[smem:$0x3FAE] =	sst s0  }
0x9: {  	[smem:$0x3FAF] =	sst s1  }
0xa: {  	[smem:$0x3FB0] =	sst s2  }
0xb: {  	[smem:$0x3FB1] =	sst s3  }
0xc: {  	[smem:$0x3FB2] =	sst s4  }
0xd: {  	[smem:$0x3FB3] =	sst s5  }
0xe: {  	[smem:$0x3FB4] =	sst s6  }
0xf: {  	[smem:$0x3FB5] =	sst s7  }
0x10: {  	[smem:$0x3FB6] =	sst s8  }
0x11: {  	[smem:$0x3FB7] =	sst s9;
	s0 =	simm.s32 @!p0 $0x0  }
0x12: {  	s1 =	sld [smem:$0x3F9D];
	s0 =	simm.s32 @p0 $0x1  }
0x13: {  	[smem:$0x3FB8] =	sst s0;
	s0 =	simm.s32 @!p1 $0x0  }
0x14: {  	s2 =	sld [smem:$0x3F9C];
	s0 =	simm.s32 @p1 $0x1  }
0x15: {  	[smem:$0x3FB9] =	sst s0;
	s0 =	simm.s32 @!p2 $0x0  }
0x16: {  	s3 =	sld [smem:$0x3FDB];
	s0 =	simm.s32 @p2 $0x1  }
0x17: {  	s4 =	simm.s32 $0x1BF5;
	[smem:$0x3FBB] =	sst s0  }
0x18: {  	s0 =	sld [smem:$0x3F9E];
	_ =	swait.ge [sflag:s4], $0x0  }
0x19: {  	s7 =	sld [smem:$0x3F9F]  }
0x1a: {  	s8 =	sadd.s32 $0xFFFFE003, lr  }
0x1b: {  	s9 =	sadd.s32 $0xFFFFFEF7, lr;
	s5 =	simm.s32 $0xFFFFFFFF;
	p2 =	slt.u32 s8, $0xFFFFF086  }
0x1c: {  	p1 =	slt.u32 s9, $0xF7A;
	s5 =	simm.s32 @!p2 $0x0  }
0x1d: {  	s5 =	simm.s32 @p1 $0x1;
	p0 =	seq.s32 s7, s2  }
0x1e: {  	s7 =	smul.u32 @!p0 $0xF7A, s2;
	p2 =	seq.s32 @!p0 s5, $0x0  }
0x1f: {  	s9 =	smul.u32 $0xF7A, s1;
	s8 =	simm.s32 @!p0 $0x1BF5;
	p2 =	por !p2, p0  }
0x20: {  	[sflag:s8] =	ssyncset.s32 @!p0 $0xFFFFF086;
	s6 =	sadd.s32 @!p0 s3, s7;
	s7 =	simm.s32 @!p0 $0x108  }
0x21: {  	s3 =	sadd.s32 s3, s9;
	s6 =	sadd.s32 @!p0 $0x88, s6;
	s7 =	simm.s32 @p2 $0x1082  }
0x22: {  	[simem:s7], [sflag:s8] =	dma.local @!p0 [hbm:s6], $0xF7A  }
0x23: {  	s9 =	sor.u32 $0xD0000000, s2;
	s6 =	simm.s32 $0x108;
	_ =	swait.ge @!p0 [sflag:s8], $0x0  }
0x24: {  	s3 =	sadd.s32 $0x88, s3;
	s6 =	simm.s32 @!p1 $0x1082;
	[sflag:s4] =	ssyncset.s32 $0xFFFFF086  }
0x25: {  	[simem:s6], [sflag:s4] =	dma.local [hbm:s3], $0xF7A  }
0x26: {  	[smem:$0x3F9F] =	sst s1;
	(tag) =	ssettag s2;
	_ =	strace s9  }
0x27: {  	s1 =	sld [smem:$0x3FAF]  }
0x28: {  	s2 =	sld [smem:$0x3FB0]  }
0x29: {  	s4 =	sld [smem:$0x3FB2]  }
0x2a: {  	p0 =	seq.s32 s5, $0x0;
	s5 =	sld [smem:$0x3FB3]  }
0x2b: {  	s6 =	sld [smem:$0x3FB4]  }
0x2c: {  	s7 =	sld [smem:$0x3FB5]  }
0x2d: {  	s3 =	simm.s32 $0x108;
	s8 =	sld [smem:$0x3FB6]  }
0x2e: {  	s3 =	simm.s32 @!p0 $0x1082;
	s9 =	sld [smem:$0x3FB7]  }
0x2f: {  	lr =	sadd.s32 s0, s3;
	s0 =	sld [smem:$0x3FAE]  }
0x30: {  	s3 =	sld [smem:$0x3FB1]  }
0x31: {  	[smem:$0x3FBA] =	sst s10  }
0x32: {  	s10 =	sld [smem:$0x3FB8];
	_ =	sdelay $0x3  }
0x33: {  	p0 =	seq.s32 s10, $0x1;
	s10 =	sld [smem:$0x3FBA];
	_ =	sdelay $0x3  }
0x34: {  	[smem:$0x3FBA] =	sst s10  }
0x35: {  	s10 =	sld [smem:$0x3FB9];
	_ =	sdelay $0x3  }
0x36: {  	p1 =	seq.s32 s10, $0x1;
	s10 =	sld [smem:$0x3FBA];
	_ =	sdelay $0x3  }
0x37: {  	[smem:$0x3FBA] =	sst s10  }
0x38: {  	s10 =	sld [smem:$0x3FBB]  }
0x39: {  	_ = 	snop;
	(pc) =	sbr.ind lr, $3  }
0x3a: {  	_ = 	snop  }
0x3b: {  	_ = 	snop  }
0x3c: {  	p2 =	seq.s32 s10, $0x1;
	s10 =	sld [smem:$0x3FBA]  }
0x3d: {  	_ =	shalt  }
0x3e: {  	_ =	shalt  }
0x3f: {  	_ =	shalt  }
0x40: {  	_ =	shalt  }
0x41: {  	_ =	shalt  }
0x42: {  	_ =	shalt  }
0x43: {  	_ =	shalt  }
0x44: {  	_ =	shalt  }
0x45: {  	_ =	shalt  }
0x46: {  	_ =	shalt  }
0x47: {  	_ =	shalt  }
0x48: {  	_ =	shalt  }
0x49: {  	_ =	shalt  }
0x4a: {  	_ =	shalt  }
0x4b: {  	_ =	shalt  }
0x4c: {  	_ =	shalt  }
0x4d: {  	_ =	shalt  }
0x4e: {  	_ =	shalt  }
0x4f: {  	_ =	shalt  }
0x50: {  	_ =	shalt  }
0x51: {  	_ =	shalt  }
0x52: {  	_ =	shalt  }
0x53: {  	_ =	shalt  }
0x54: {  	_ =	shalt  }
0x55: {  	_ =	shalt  }
0x56: {  	_ =	shalt  }
0x57: {  	_ =	shalt  }
0x58: {  	_ =	shalt  }
0x59: {  	_ =	shalt  }
0x5a: {  	_ =	shalt  }
0x5b: {  	_ =	shalt  }
0x5c: {  	_ =	shalt  }
0x5d: {  	_ =	shalt  }
0x5e: {  	_ =	shalt  }
0x5f: {  	_ =	shalt  }
0x60: {  	_ =	shalt  }
0x61: {  	_ =	shalt  }
0x62: {  	_ =	shalt  }
0x63: {  	_ =	shalt  }
0x64: {  	_ =	shalt  }
0x65: {  	_ =	shalt  }
0x66: {  	_ =	shalt  }
0x67: {  	_ =	shalt  }
0x68: {  	_ =	shalt  }
0x69: {  	_ =	shalt  }
0x6a: {  	_ =	shalt  }
0x6b: {  	_ =	shalt  }
0x6c: {  	_ =	shalt  }
0x6d: {  	_ =	shalt  }
0x6e: {  	_ =	shalt  }
0x6f: {  	_ =	shalt  }
0x70: {  	_ =	shalt  }
0x71: {  	_ =	shalt  }
0x72: {  	_ =	shalt  }
0x73: {  	_ =	shalt  }
0x74: {  	_ =	shalt  }
0x75: {  	_ =	shalt  }
0x76: {  	_ =	shalt  }
0x77: {  	_ =	shalt  }
0x78: {  	_ =	shalt  }
0x79: {  	_ =	shalt  }
0x7a: {  	_ =	shalt  }
0x7b: {  	_ =	shalt  }
0x7c: {  	_ =	shalt  }
0x7d: {  	_ =	shalt  }
0x7e: {  	_ =	shalt  }
0x7f: {  	_ =	shalt  }
0x80: {  	_ =	shalt  }
0x81: {  	_ =	shalt  }
0x82: {  	_ =	shalt  }
0x83: {  	_ =	shalt  }
0x84: {  	_ =	shalt  }
0x85: {  	_ =	shalt  }
0x86: {  	_ =	shalt  }
0x87: {  	_ =	shalt  }
.Lfunc_end0:
.L_simem_size_0:
called_computation_lowered:
.L_overlay_start_0:
0x88: {  	s2 =	sld [smem:$0x3FD9]  }
0x89: {  	s3 =	sld [smem:$0x3FFE];
	_ =	sdelay $0x1  }
0x8a: {  	s1 =	srdreg.scid  }
0x8b: {  	s0 =	sand.u32 $0x1, s1  }
0x8c: {  	s18 =	sshll.u32 s0, $0xA;
	s2 =	sadd.s32 s3, s2  }
0x8d: {  	s2 =	sadd.s32 s2, s18  }
0x8e: {  	[smem:$0x3FC6] =	sst s2  }
0x8f: {  	_ = 	snop  }
0x90: {  	s2 =	sld [smem:$0x3FC9]  }
0x91: {  	s19 =	sld [smem:$0x3FC8]  }
0x92: {  	s4 =	sld [smem:$0x3FD0];
	(tm) =	ssettm $0x1  }
0x93: {  	s5 =	sld [smem:$0x3FFB];
	_ =	sdelay $0x3  }
0x94: {  	_ =	strace s5  }
0x95: {  	s5 =	sld [smem:$0x3FFC];
	_ =	sdelay $0x3  }
0x96: {  	_ =	strace s5  }
0x97: {  	s5 =	sld [smem:$0x3FFD];
	_ =	sdelay $0x3  }
0x98: {  	_ =	strace s5  }
0x99: {  	_ =	strace $0x8FFFFFFF  }
0x9a: {  	s20 =	sld [smem:$0x3FDB];
	_ =	sdelay $0x1  }
0x9b: {  	s6 =	simm.s32 $_scs_section_size  }
0x9c: {  	s7 =	simm.s32 $_size__tile_overlayer_lowered;
	s8 =	simm.s32 $_tile_overlayer_lowered  }
0x9d: {  	s23 =	simm.s32 $0x1BFF;
	s22 =	sshll.u32 s8, $0x1;
	s5 =	sadd.s32 s6, s20  }
0x9e: {  	s9 =	simm.s32 $0x0;
	s21 =	sshll.u32 s7, $0x1;
	s7 =	sadd.s32 s22, s5  }
0x9f: {  	[timem:s9], [sflag:s23] =	dma.local [hbm:s7], s21  }
0xa0: {  	_ =	swait.ge [sflag:s23], s21  }
0xa1: {  	s6 =	ssub.s32 $0x0, s21;
	[sflag:s23] =	ssyncset.done $0x0  }
0xa2: {  	[sflag:s23] =	ssyncadd.s32 s6;
	_ =	sdelay $0x1  }
0xa3: {  	s24 =	simm.s32 $0x1B8B  }
0xa4: {  	_ =	swait.ge [sflag:s24], $0x1  }
0xa5: {  	[sflag:s24] =	ssyncset.done $0x0  }
0xa6: {  	s25 =	simm.s32 $0x1B8E;
	[sflag:s24] =	ssyncadd.s32 $0xFFFFFFFF  }
0xa7: {  	s26 =	simm.s32 $execute0_lowered;
	[smem:$0x3FD2] =	sst s25  }
0xa8: {  	s6 =	sshll.u32 s26, $0x1;
	_ =	strace $0x80000046;
	[dreg:$0x1] =	wrdreg $0xFFFFFFFF  }
0xa9: {  	s28 =	simm.s32 $_size_execute0_lowered;
	s5 =	sadd.s32 s5, s6;
	[dreg:$0x0] =	wrdreg $0x0  }
0xaa: {  	s6 =	sshll.u32 s28, $0x1;
	[dreg:$0x2] =	wrdreg s5  }
0xab: {  	[dreg:$0x3] =	wrdreg s6  }
0xac: {  	[dreg:$0x4] =	wrdreg $0xC0  }
0xad: {  	_ =	task [dreg:s9], $0x5FFFF  }
0xae: {  	[dreg:$0x1] =	wrdreg $0xFFFFFFFF  }
0xaf: {  	[dreg:$0x0] =	wrdreg $0x60  }
0xb0: {  	[dreg:$0x2] =	wrdreg s2  }
0xb1: {  	[dreg:$0x3] =	wrdreg s19  }
0xb2: {  	[dreg:$0x4] =	wrdreg s4  }
0xb3: {  	[dreg:$0x5] =	wrdreg $0x9  }
0xb4: {  	_ =	task.clear_ibuf [dreg:s9], $0x6FFFF;
	_ =	strace $0x90000046  }
0xb5: {  	s29 =	simm.s32 $0x9;
	_ =	strace $0x80000048  }
0xb6: {  	_ =	swait.ge [sflag:s29], $0x1  }
0xb7: {  	[sflag:s29] =	ssyncadd.s32 $0xFFFFFFFF  }
0xb8: {  	_ =	strace $0x90000048  }
0xb9: {  	_ =	sfence  }
0xba: {  	s30 =	sld [smem:$0x0];
	_ =	sdelay $0x2  }
0xbb: {  	s31 =	sshll.u32 s1, $0xD;
	s1 =	sshrl.u32 s1, $0x2  }
0xbc: {  	s3 =	sand.u32 $0x4000, s31;
	s1 =	sadd.s32 s1, s30  }
0xbd: {  	s0 =	sor.u32 s3, s0;
	s1 =	sshll.u32 s1, $0x11  }
0xbe: {  	s0 =	sor.u32 s1, s0  }
0xbf: {  	s0 =	sadd.s32 $0x8F2B, s0  }
0xc0: {  	[sflag:s0] =	ssyncadd.remote.s32 $0x1  }
0xc1: {  	_ =	sfence.sel $0xFFFF  }
0xc2: {  	[dreg:$0x0] =	wrdreg $0xFFFFFFFF;
	(pc) =	sbr.abs _section_cstart, $3  }
0xc3: {  	[dreg:$0x1] =	wrdreg $0xFFFFFFFF  }
0xc4: {  	_ =	task.clear_ibuf [dreg:s9], $0x2FFFF;
	_ =	strace $0x9FFFFFFF  }
0xc5: {  	(tm) =	ssettm $0x7FFFFFFF  }
tec
execute0_lowered:
.L_overlay_start_1:
0x0: {  	(tag) =	ssettag $0x1  }
0x1: {  	v0 =	vimm.s32 $0x64432201;
	v1 =	vimm.s32 $0xFEDCBA9;
	v2 =	vimm.s32 $0xE8C7A685  }
0x2: {  	v3 =	vimm.s32 $0x87654321;
	vm8 =	vcmask $0xF00;
	vm0 =	vcmask $0x1F10  }
0x3: {  	vm7 =	vcmask $0x2320;
	vm6 =	vcmask $0x2724;
	vm5 =	vcmask $0x2B28  }
0x4: {  	vm3 =	vcmask $0x2F2C;
	vm4 =	vcmask $0x3330;
	vm1 =	vcmask $0x3734  }
0x5: {  	vm2 =	vcmask $0x3B38;
	v6 =	vimm.s32 $0x18171615;
	v7 =	vimm.s32 $0x10FEDCBA  }
0x6: {  	v8 =	vimm.s32 $0x98765432;
	v9 =	vimm.s32 $0x1A191817;
	v12 =	vimm.s32 $0x6B4A2908  }
0x7: {  	v13 =	vimm.s32 $0x7C5B3A19;
	v16 =	vimm.s32 $0xE2C1A08F;
	v18 =	vimm.s32 $0x7F5E3D1C  }
0x8: {  	v19 =	vimm.s32 $0x705F3E1D;
	v22 =	vimm.s32 $0xE5C4A382;
	v26 =	vimm.s32 $0xF5D4B392  }
0x9: {  	v57 =	vimm.s32 $0xE6C5A483;
	v58 =	vimm.s32 $0x7251301F;
	v0 =	vunpack.c.0.s8.s32 v0  }
0xa: {  	v62 =	vimm.s32 $0x543210FE;
	v63 =	vimm.s32 $0xDCBA9876;
	v2 =	vunpack.c.0.s8.s32 v2  }
0xb: {  	v1 =	vunpack.c.l.s4.s8 v1;
	v3 =	vunpack.c.l.s4.s8 v3;
	v0 =	vand.u32 $0xFF, v0  }
0xc: {  	v7 =	vunpack.c.l.s4.s8 v7;
	v2 =	vand.u32 $0xFF, v2;
	v0 =	vnsel vm8, $0x1E0, v0  }
0xd: {  	v8 =	vunpack.c.l.s4.s8 v8;
	v33 =	vunpack.c.0.s8.s32 v9;
	v0 =	vsel vm0, v2, v0  }
0xe: {  	v13 =	vunpack.c.0.s8.s32 v13;
	v1 =	vunpack.c.0.s8.s32 v1;
	v0 =	vsel vm7, $0x109, v0  }
0xf: {  	v19 =	vunpack.c.0.s8.s32 v19;
	v2 =	vunpack.c.0.s8.s32 v3;
	v0 =	vsel vm6, $0x12A, v0  }
0x10: {  	v22 =	vunpack.c.0.s8.s32 v22;
	v26 =	vunpack.c.0.s8.s32 v26;
	[tilespmem:$0x1FDB0] =	vst v1;
	v0 =	vsel vm5, $0x14B, v0  }
0x11: {  	[tilespmem:$0x1FDC0] =	vst v2;
	v1 =	vcombine.low v2, v1;
	v2 =	vimm.s32 $0x74533211;
	v0 =	vsel vm3, $0x16C, v0  }
0x12: {  	v56 =	vand.u32 $0xFF, v26;
	v2 =	vunpack.c.0.s8.s32 v2;
	v0 =	vsel vm4, $0x18D, v0  }
0x13: {  	v26 =	vunpack.c.0.s8.s32 v58;
	v4 =	vsel vm1, $0x1AE, v0;
	v0 =	vimm.s32 $0xF8D7B695  }
0x14: {  	v3 =	vimm.s32 $0x1C1B1A19;
	v2 =	vand.u32 $0xFF, v2;
	v5 =	vunpack.c.0.s8.s32 v0  }
0x15: {  	v1 =	vand.u32 $0xF, v1;
	v2 =	vnsel vm8, $0x1F0, v2;
	v0 =	vunpack.c.0.s8.s32 v3  }
0x16: {  	[tilespmem:$0x1FDD0] =	vst v1;
	v3 =	vimm.s32 $0x101F1E1D;
	v1 =	vsel vm2, $0x1CF, v4;
	v5 =	vand.u32 $0xFF, v5  }
0x17: {  	v3 =	vunpack.c.0.s8.s32 v3;
	[tilespmem:$0x1FDE0] =	vst v1;
	v1 =	vsel vm0, v5, v2;
	v2 =	vimm.s32 $0x14131211  }
0x18: {  	v1 =	vsel vm7, $0x119, v1;
	v4 =	vunpack.c.0.s8.s32 v2;
	v2 =	vimm.s32 $0x65442302  }
0x19: {  	v5 =	vimm.s32 $0xE9C8A786;
	v1 =	vsel vm6, $0x13A, v1;
	v2 =	vunpack.c.0.s8.s32 v2  }
0x1a: {  	v60 =	vand.u32 $0xFF, v26;
	v5 =	vunpack.c.0.s8.s32 v5;
	v1 =	vsel vm5, $0x15B, v1  }
0x1b: {  	v42 =	vsel vm0, v3, v0;
	v1 =	vsel vm3, $0x17C, v1;
	v2 =	vand.u32 $0xFF, v2  }
0x1c: {  	v5 =	vand.u32 $0xFF, v5;
	v1 =	vsel vm4, $0x19D, v1;
	v2 =	vnsel vm8, $0x1E1, v2  }
0x1d: {  	v2 =	vsel vm0, v5, v2;
	v5 =	vunpack.c.0.s8.s32 v6;
	v1 =	vsel vm1, $0x1BE, v1  }
0x1e: {  	v6 =	vunpack.c.0.s8.s32 v7;
	v7 =	vunpack.c.0.s8.s32 v8;
	v8 =	vimm.s32 $0xA9876543  }
0x1f: {  	v2 =	vsel vm7, $0x10A, v2;
	v1 =	vsel vm2, $0x1DF, v1;
	v8 =	vunpack.c.l.s4.s8 v8  }
0x20: {  	v2 =	vsel vm6, $0x12B, v2;
	v43 =	vsel vm0, v5, v4;
	[tilespmem:$0x1FDF0] =	vst v1;
	v25 =	vsel vm0, v0, v5  }
0x21: {  	[tilespmem:$0x1FE00] =	vst v6;
	v1 =	vsel vm5, $0x14C, v2;
	v2 =	vcombine.low v7, v6;
	v6 =	vimm.s32 $0x75543312  }
0x22: {  	v5 =	vimm.s32 $0xEDCCAB8A;
	v1 =	vsel vm3, $0x16D, v1;
	v6 =	vunpack.c.0.s8.s32 v6  }
0x23: {  	[tilespmem:$0x1FE10] =	vst v7;
	v7 =	vimm.s32 $0xF9D8B796;
	v1 =	vsel vm4, $0x18E, v1;
	v2 =	vand.u32 $0xF, v2  }
0x24: {  	[tilespmem:$0x1FE20] =	vst v2;
	v1 =	vsel vm1, $0x1AF, v1;
	v2 =	vunpack.c.0.s8.s32 v7;
	v6 =	vand.u32 $0xFF, v6  }
0x25: {  	v7 =	vimm.s32 $0x11101F1E;
	v1 =	vsel vm2, $0x1C0, v1;
	v6 =	vnsel vm8, $0x1F1, v6  }
0x26: {  	v27 =	vunpack.c.0.s8.s32 v7;
	[tilespmem:$0x1FE30] =	vst v1;
	v1 =	vimm.s32 $0x1D1C1B1A;
	v2 =	vand.u32 $0xFF, v2  }
0x27: {  	v44 =	vunpack.c.0.s8.s32 v1;
	v1 =	vsel vm0, v2, v6;
	v6 =	vimm.s32 $0x66452403  }
0x28: {  	v7 =	vimm.s32 $0xEAC9A887;
	v2 =	vimm.s32 $0x15141312;
	v6 =	vunpack.c.0.s8.s32 v6  }
0x29: {  	v1 =	vsel vm7, $0x11A, v1;
	v28 =	vunpack.c.0.s8.s32 v2;
	v2 =	vunpack.c.0.s8.s32 v7  }
0x2a: {  	v7 =	vimm.s32 $0x210FEDCB;
	v1 =	vsel vm6, $0x13B, v1;
	v6 =	vand.u32 $0xFF, v6  }
0x2b: {  	v7 =	vunpack.c.l.s4.s8 v7;
	v2 =	vand.u32 $0xFF, v2;
	v6 =	vnsel vm8, $0x1E2, v6  }
0x2c: {  	v8 =	vunpack.c.0.s8.s32 v8;
	v1 =	vsel vm5, $0x15C, v1;
	v2 =	vsel vm0, v2, v6  }
0x2d: {  	v1 =	vsel vm3, $0x17D, v1;
	v7 =	vunpack.c.0.s8.s32 v7;
	v2 =	vsel vm7, $0x10B, v2  }
0x2e: {  	v6 =	vimm.s32 $0x19181716;
	v1 =	vsel vm4, $0x19E, v1;
	v2 =	vsel vm6, $0x12C, v2  }
0x2f: {  	v29 =	vunpack.c.0.s8.s32 v6;
	v1 =	vsel vm1, $0x1BF, v1;
	v2 =	vsel vm5, $0x14D, v2  }
0x30: {  	[tilespmem:$0x1FE40] =	vst v7;
	v6 =	vcombine.low v8, v7;
	v7 =	vimm.s32 $0x76553413;
	v2 =	vsel vm3, $0x16E, v2  }
0x31: {  	[tilespmem:$0x1FE50] =	vst v8;
	v8 =	vimm.s32 $0xFAD9B897;
	v1 =	vsel vm2, $0x1D0, v1;
	v2 =	vsel vm4, $0x18F, v2  }
0x32: {  	v7 =	vunpack.c.0.s8.s32 v7;
	[tilespmem:$0x1FE60] =	vst v1;
	v6 =	vand.u32 $0xF, v6;
	v1 =	vsel vm1, $0x1A0, v2  }
0x33: {  	[tilespmem:$0x1FE70] =	vst v6;
	v6 =	vimm.s32 $0x1E1D1C1B;
	v2 =	vunpack.c.0.s8.s32 v8;
	v1 =	vsel vm2, $0x1C1, v1  }
0x34: {  	v5 =	vunpack.c.0.s8.s32 v5;
	v30 =	vunpack.c.0.s8.s32 v6;
	[tilespmem:$0x1FE80] =	vst v1;
	v1 =	vand.u32 $0xFF, v7  }
0x35: {  	v6 =	vimm.s32 $0x1211101F;
	v2 =	vand.u32 $0xFF, v2;
	v1 =	vnsel vm8, $0x1F2, v1  }
0x36: {  	v31 =	vunpack.c.0.s8.s32 v6;
	v1 =	vsel vm0, v2, v1;
	v2 =	vimm.s32 $0x16151413  }
0x37: {  	v6 =	vimm.s32 $0xEBCAA988;
	v32 =	vunpack.c.0.s8.s32 v2;
	v2 =	vimm.s32 $0x67462504  }
0x38: {  	v8 =	vimm.s32 $0xBA987654;
	v6 =	vunpack.c.0.s8.s32 v6;
	v2 =	vunpack.c.0.s8.s32 v2  }
0x39: {  	v8 =	vunpack.c.l.s4.s8 v8;
	v7 =	vimm.s32 $0x3210FEDC;
	v1 =	vsel vm7, $0x11B, v1  }
0x3a: {  	v7 =	vunpack.c.l.s4.s8 v7;
	v1 =	vsel vm6, $0x13C, v1;
	v2 =	vand.u32 $0xFF, v2  }
0x3b: {  	v6 =	vand.u32 $0xFF, v6;
	v1 =	vsel vm5, $0x15D, v1;
	v2 =	vnsel vm8, $0x1E3, v2  }
0x3c: {  	v1 =	vsel vm3, $0x17E, v1;
	v2 =	vsel vm0, v6, v2;
	v6 =	vunpack.c.0.s8.s32 v7  }
0x3d: {  	v24 =	vsel vm0, v4, v3;
	v1 =	vsel vm4, $0x19F, v1;
	v7 =	vunpack.c.0.s8.s32 v8  }
0x3e: {  	v5 =	vand.u32 $0xFF, v5;
	v1 =	vsel vm1, $0x1B0, v1;
	v2 =	vsel vm7, $0x10C, v2;
	[tilespmem:$0x1FE90] =	vst v6  }
0x3f: {  	v2 =	vsel vm6, $0x12D, v2;
	[tilespmem:$0x1FEA0] =	vst v7;
	v6 =	vcombine.low v7, v6;
	v7 =	vimm.s32 $0x77563514  }
0x40: {  	v1 =	vsel vm2, $0x1D1, v1;
	v2 =	vsel vm5, $0x14E, v2;
	v7 =	vunpack.c.0.s8.s32 v7  }
0x41: {  	v8 =	vimm.s32 $0xFBDAB998;
	[tilespmem:$0x1FEB0] =	vst v1;
	v2 =	vsel vm3, $0x16F, v2;
	v6 =	vand.u32 $0xF, v6  }
0x42: {  	v1 =	vsel vm4, $0x180, v2;
	v2 =	vunpack.c.0.s8.s32 v8;
	[tilespmem:$0x1FEC0] =	vst v6;
	v6 =	vand.u32 $0xFF, v7  }
0x43: {  	v7 =	vimm.s32 $0x13121110;
	v8 =	vimm.s32 $0xCBA98765;
	v1 =	vsel vm1, $0x1A1, v1  }
0x44: {  	v35 =	vunpack.c.0.s8.s32 v7;
	v8 =	vunpack.c.l.s4.s8 v8;
	v1 =	vsel vm2, $0x1C2, v1  }
0x45: {  	v7 =	vimm.s32 $0xECCBAA89;
	v2 =	vand.u32 $0xFF, v2;
	[tilespmem:$0x1FED0] =	vst v1;
	v1 =	vnsel vm8, $0x1F3, v6  }
0x46: {  	v6 =	vimm.s32 $0x1F1E1D1C;
	v8 =	vunpack.c.0.s8.s32 v8;
	v1 =	vsel vm0, v2, v1  }
0x47: {  	v34 =	vunpack.c.0.s8.s32 v6;
	v2 =	vimm.s32 $0x17161514;
	v6 =	vimm.s32 $0x68472605  }
0x48: {  	v1 =	vsel vm7, $0x11C, v1;
	v6 =	vunpack.c.0.s8.s32 v6;
	v36 =	vunpack.c.0.s8.s32 v2  }
0x49: {  	v2 =	vunpack.c.0.s8.s32 v7;
	v7 =	vimm.s32 $0x43210FED;
	v1 =	vsel vm6, $0x13D, v1  }
0x4a: {  	v7 =	vunpack.c.l.s4.s8 v7;
	v1 =	vsel vm5, $0x15E, v1;
	v6 =	vand.u32 $0xFF, v6  }
0x4b: {  	v2 =	vand.u32 $0xFF, v2;
	v1 =	vsel vm3, $0x17F, v1;
	v6 =	vnsel vm8, $0x1E4, v6  }
0x4c: {  	v7 =	vunpack.c.0.s8.s32 v7;
	v1 =	vsel vm4, $0x190, v1;
	v2 =	vsel vm0, v2, v6  }
0x4d: {  	v6 =	vimm.s32 $0x1B1A1918;
	v1 =	vsel vm1, $0x1B1, v1;
	v2 =	vsel vm7, $0x10D, v2  }
0x4e: {  	[tilespmem:$0x1FF00] =	vst v8;
	v23 =	vunpack.c.0.s8.s32 v6;
	v6 =	vimm.s32 $0x78573615;
	v2 =	vsel vm6, $0x12E, v2  }
0x4f: {  	[tilespmem:$0x1FEF0] =	vst v7;
	v1 =	vsel vm2, $0x1D2, v1;
	v6 =	vunpack.c.0.s8.s32 v6;
	v2 =	vsel vm5, $0x14F, v2  }
0x50: {  	[tilespmem:$0x1FEE0] =	vst v1;
	v1 =	vcombine.low v8, v7;
	v7 =	vimm.s32 $0xFCDBBA99;
	v8 =	vimm.s32 $0x69482706  }
0x51: {  	v2 =	vsel vm3, $0x160, v2;
	v7 =	vunpack.c.0.s8.s32 v7;
	v3 =	vand.u32 $0xFF, v6  }
0x52: {  	v4 =	vunpack.c.0.s8.s32 v8;
	v6 =	vimm.s32 $0x79583716;
	v2 =	vsel vm4, $0x181, v2  }
0x53: {  	v0 =	vnsel vm8, $0x1F4, v3;
	v6 =	vunpack.c.0.s8.s32 v6;
	v1 =	vand.u32 $0xF, v1  }
0x54: {  	v2 =	vsel vm1, $0x1A2, v2;
	v3 =	vand.u32 $0xFF, v7;
	v4 =	vand.u32 $0xFF, v4  }
0x55: {  	v7 =	vimm.s32 $0xFDDCBB9A;
	v0 =	vsel vm0, v3, v0;
	v3 =	vnsel vm8, $0x1E5, v4  }
0x56: {  	v4 =	vunpack.c.0.s8.s32 v7;
	v6 =	vand.u32 $0xFF, v6;
	v7 =	vimm.s32 $0x6A492807  }
0x57: {  	v8 =	vnsel vm8, $0x1F5, v6;
	v10 =	vunpack.c.0.s8.s32 v7;
	v6 =	vsel vm0, v5, v3  }
0x58: {  	v3 =	vimm.s32 $0xEECDAC8B;
	v5 =	vimm.s32 $0x7A593817;
	v9 =	vand.u32 $0xFF, v4  }
0x59: {  	v4 =	vsel vm7, $0x11D, v0;
	v3 =	vunpack.c.0.s8.s32 v3;
	v5 =	vunpack.c.0.s8.s32 v5  }
0x5a: {  	v7 =	vsel vm0, v9, v8;
	v0 =	vand.u32 $0xFF, v10;
	v8 =	vimm.s32 $0xFEDDBC9B  }
0x5b: {  	v9 =	vimm.s32 $0xFEDCBA98;
	v0 =	vnsel vm8, $0x1E6, v0;
	v8 =	vunpack.c.0.s8.s32 v8  }
0x5c: {  	v3 =	vand.u32 $0xFF, v3;
	v5 =	vand.u32 $0xFF, v5;
	v9 =	vunpack.c.l.s4.s8 v9  }
0x5d: {  	v5 =	vnsel vm8, $0x1F6, v5;
	v10 =	vand.u32 $0xFF, v8;
	v8 =	vimm.s32 $0x76543210  }
0x5e: {  	v9 =	vunpack.c.0.s8.s32 v9;
	v11 =	vunpack.c.l.s4.s8 v8;
	v8 =	vsel vm0, v3, v0  }
0x5f: {  	v0 =	vsel vm0, v10, v5;
	v3 =	vunpack.c.0.s8.s32 v12;
	v10 =	vimm.s32 $0x7B5A3918  }
0x60: {  	v12 =	vimm.s32 $0xE0CFAE8D;
	v10 =	vunpack.c.0.s8.s32 v10;
	v5 =	vunpack.c.0.s8.s32 v11  }
0x61: {  	[tilespmem:$0x1FF20] =	vst v1;
	v1 =	vsel vm2, $0x1C3, v2;
	v9 =	vand.u32 $0xF, v9;
	v12 =	vunpack.c.0.s8.s32 v12  }
0x62: {  	v5 =	vcombine.low v9, v5;
	v9 =	vand.u32 $0xFF, v10;
	v10 =	vimm.s32 $0xFFDEBD9C  }
0x63: {  	v3 =	vand.u32 $0xFF, v3;
	v11 =	vimm.s32 $0xEFCEAD8C;
	v10 =	vunpack.c.0.s8.s32 v10  }
0x64: {  	v3 =	vnsel vm8, $0x1E7, v3;
	[tilespmem:$0x1FF10] =	vst v5;
	v5 =	vunpack.c.0.s8.s32 v11;
	v11 =	vimm.s32 $0x6C4B2A09  }
0x65: {  	v9 =	vnsel vm8, $0x1F7, v9;
	v11 =	vunpack.c.0.s8.s32 v11;
	v10 =	vand.u32 $0xFF, v10  }
0x66: {  	v12 =	vand.u32 $0xFF, v12;
	v5 =	vand.u32 $0xFF, v5;
	v10 =	vsel vm0, v10, v9  }
0x67: {  	v11 =	vand.u32 $0xFF, v11;
	v20 =	vsel vm0, v5, v3;
	v3 =	vand.u32 $0xFF, v13  }
0x68: {  	v5 =	vimm.s32 $0xF0DFBE9D;
	v13 =	vimm.s32 $0x7D5C3B1A;
	v11 =	vnsel vm8, $0x1E8, v11  }
0x69: {  	v5 =	vunpack.c.0.s8.s32 v5;
	v9 =	vsel vm0, v12, v11;
	v11 =	vimm.s32 $0x6D4C2B0A  }
0x6a: {  	v3 =	vnsel vm8, $0x1F8, v3;
	v12 =	vimm.s32 $0xE1C0AF8E;
	v11 =	vunpack.c.0.s8.s32 v11  }
0x6b: {  	v13 =	vunpack.c.0.s8.s32 v13;
	v12 =	vunpack.c.0.s8.s32 v12;
	v5 =	vand.u32 $0xFF, v5  }
0x6c: {  	v2 =	vsel vm7, $0x10E, v6;
	v14 =	vsel vm0, v5, v3;
	v11 =	vand.u32 $0xFF, v11  }
0x6d: {  	v5 =	vand.u32 $0xFF, v12;
	v12 =	vand.u32 $0xFF, v13;
	v13 =	vimm.s32 $0x6E4D2C0B  }
0x6e: {  	v3 =	vnsel vm8, $0x1E9, v11;
	v11 =	vimm.s32 $0xF1D0BF9E;
	v13 =	vunpack.c.0.s8.s32 v13  }
0x6f: {  	v40 =	vsel vm6, $0x13E, v4;
	v15 =	vunpack.c.0.s8.s32 v11;
	v11 =	vsel vm0, v5, v3  }
0x70: {  	v3 =	vnsel vm8, $0x1F9, v12;
	v5 =	vunpack.c.0.s8.s32 v16;
	v13 =	vand.u32 $0xFF, v13  }
0x71: {  	v12 =	vand.u32 $0xFF, v15;
	v15 =	vimm.s32 $0x7E5D3C1B;
	v13 =	vnsel vm8, $0x1EA, v13  }
0x72: {  	v16 =	vunpack.c.0.s8.s32 v15;
	v15 =	vsel vm0, v12, v3;
	v3 =	vimm.s32 $0xF2D1B09F  }
0x73: {  	v5 =	vand.u32 $0xFF, v5;
	v12 =	vimm.s32 $0x6F4E2D0C;
	v3 =	vunpack.c.0.s8.s32 v3  }
0x74: {  	v13 =	vsel vm0, v5, v13;
	v5 =	vand.u32 $0xFF, v16;
	v16 =	vunpack.c.0.s8.s32 v12  }
0x75: {  	v12 =	vimm.s32 $0xE3C2A180;
	v5 =	vnsel vm8, $0x1FA, v5;
	v3 =	vand.u32 $0xFF, v3  }
0x76: {  	v2 =	vsel vm6, $0x12F, v2;
	v17 =	vunpack.c.0.s8.s32 v12;
	v12 =	vsel vm0, v3, v5  }
0x77: {  	v3 =	vand.u32 $0xFF, v16;
	v5 =	vunpack.c.0.s8.s32 v18;
	v18 =	vimm.s32 $0x604F2E0D  }
0x78: {  	v3 =	vnsel vm8, $0x1EB, v3;
	v16 =	vand.u32 $0xFF, v17;
	v17 =	vimm.s32 $0xF3D2B190  }
0x79: {  	v5 =	vand.u32 $0xFF, v5;
	v17 =	vunpack.c.0.s8.s32 v17;
	v16 =	vsel vm0, v16, v3  }
0x7a: {  	v3 =	vnsel vm8, $0x1FB, v5;
	v5 =	vunpack.c.0.s8.s32 v18;
	v18 =	vimm.s32 $0xE4C3A281  }
0x7b: {  	v41 =	vsel vm5, $0x15F, v40;
	v17 =	vand.u32 $0xFF, v17;
	v18 =	vunpack.c.0.s8.s32 v18  }
0x7c: {  	[tilespmem:$0x1FF30] =	vst v1;
	v1 =	vsel vm3, $0x170, v41;
	v5 =	vand.u32 $0xFF, v5;
	v21 =	vsel vm0, v17, v3  }
0x7d: {  	v3 =	vnsel vm8, $0x1EC, v5;
	v5 =	vimm.s32 $0xF4D3B291;
	v17 =	vand.u32 $0xFF, v18  }
0x7e: {  	v18 =	vand.u32 $0xFF, v19;
	v19 =	vimm.s32 $0x71503F1E;
	v5 =	vunpack.c.0.s8.s32 v5  }
0x7f: {  	v17 =	vsel vm0, v17, v3;
	v3 =	vnsel vm8, $0x1FC, v18;
	v18 =	vimm.s32 $0x61402F0E  }
0x80: {  	v1 =	vsel vm4, $0x191, v1;
	v19 =	vunpack.c.0.s8.s32 v19;
	v18 =	vunpack.c.0.s8.s32 v18  }
0x81: {  	v6 =	vsel vm7, $0x11E, v7;
	v1 =	vsel vm1, $0x1B2, v1;
	v5 =	vand.u32 $0xFF, v5  }
0x82: {  	v39 =	vand.u32 $0xFF, v18;
	v18 =	vsel vm0, v5, v3;
	v5 =	vand.u32 $0xFF, v19  }
0x83: {  	v19 =	vand.u32 $0xFF, v22;
	v3 =	vnsel vm8, $0x1ED, v39;
	v5 =	vnsel vm8, $0x1FD, v5  }
0x84: {  	v19 =	vsel vm0, v19, v3;
	v3 =	vsel vm0, v56, v5;
	v5 =	vimm.s32 $0x6241200F  }
0x85: {  	v1 =	vsel vm2, $0x1D3, v1;
	v22 =	vunpack.c.0.s8.s32 v57;
	v5 =	vunpack.c.0.s8.s32 v5  }
0x86: {  	v26 =	vunpack.c.l.s4.s8 v62;
	v6 =	vsel vm6, $0x13F, v6;
	[tilespmem:$0x1FF60] =	vst v1;
	v1 =	vsel vm5, $0x140, v2  }
0x87: {  	v4 =	vand.u32 $0xFF, v5;
	v5 =	vand.u32 $0xFF, v22;
	v22 =	vunpack.c.l.s4.s8 v63  }
0x88: {  	v26 =	vunpack.c.0.s8.s32 v26;
	v2 =	vsel vm5, $0x150, v6;
	v1 =	vsel vm3, $0x161, v1  }
0x89: {  	v2 =	vsel vm3, $0x171, v2;
	v1 =	vsel vm4, $0x182, v1;
	v22 =	vunpack.c.0.s8.s32 v22  }
0x8a: {  	v2 =	vsel vm4, $0x192, v2;
	v1 =	vsel vm1, $0x1A3, v1  }
0x8b: {  	v2 =	vsel vm1, $0x1B3, v2;
	v1 =	vsel vm2, $0x1C4, v1;
	v7 =	vcombine.low v22, v26  }
0x8c: {  	[tilespmem:$0x1FF80] =	vst v1;
	v1 =	vsel vm2, $0x1D4, v2  }
0x8d: {  	v0 =	vsel vm7, $0x11F, v0;
	[tilespmem:$0x1FF90] =	vst v1;
	v1 =	vsel vm7, $0x10F, v8;
	v6 =	vand.u32 $0xF, v7  }
0x8e: {  	v0 =	vsel vm6, $0x130, v0;
	v2 =	vsel vm6, $0x120, v1;
	[tilespmem:$0x1FF70] =	vst v6;
	v6 =	vimm.s32 $0x6543210F  }
0x8f: {  	v0 =	vsel vm5, $0x151, v0;
	v2 =	vsel vm5, $0x141, v2;
	v6 =	vunpack.c.l.s4.s8 v6  }
0x90: {  	v0 =	vsel vm3, $0x172, v0;
	v2 =	vsel vm3, $0x162, v2  }
0x91: {  	v2 =	vsel vm4, $0x183, v2;
	v47 =	vunpack.c.0.s8.s32 v6;
	v6 =	vsel vm7, $0x100, v20  }
0x92: {  	v0 =	vsel vm4, $0x193, v0;
	v2 =	vsel vm1, $0x1A4, v2;
	v6 =	vsel vm6, $0x121, v6  }
0x93: {  	v0 =	vsel vm1, $0x1B4, v0;
	v2 =	vsel vm2, $0x1C5, v2;
	v6 =	vsel vm5, $0x142, v6  }
0x94: {  	v59 =	vimm.s32 $0xF6D5B493;
	v0 =	vsel vm2, $0x1D5, v0;
	[tilespmem:$0x1FFA0] =	vst v2;
	v2 =	vsel vm3, $0x163, v6  }
0x95: {  	v1 =	vimm.s32 $0xEDCBA987;
	v39 =	vunpack.c.0.s8.s32 v59;
	v2 =	vsel vm4, $0x184, v2  }
0x96: {  	[tilespmem:$0x1FFB0] =	vst v0;
	v1 =	vunpack.c.l.s4.s8 v1;
	v6 =	vsel vm7, $0x110, v10;
	v0 =	vsel vm1, $0x1A5, v2  }
0x97: {  	v61 =	vand.u32 $0xFF, v39;
	v2 =	vsel vm6, $0x131, v6;
	v0 =	vsel vm2, $0x1C6, v0  }
0x98: {  	v3 =	vsel vm7, $0x116, v3;
	v4 =	vnsel vm8, $0x1EE, v4;
	[tilespmem:$0x1FFC0] =	vst v0;
	v0 =	vsel vm5, $0x152, v2  }
0x99: {  	v5 =	vsel vm0, v5, v4;
	v2 =	vsel vm7, $0x101, v9;
	v0 =	vsel vm3, $0x173, v0  }
0x9a: {  	v4 =	vnsel vm8, $0x1FE, v60;
	v2 =	vsel vm6, $0x122, v2;
	v0 =	vsel vm4, $0x194, v0  }
0x9b: {  	v6 =	vsel vm7, $0x111, v14;
	v2 =	vsel vm5, $0x143, v2;
	v0 =	vsel vm1, $0x1B5, v0  }
0x9c: {  	v6 =	vsel vm6, $0x132, v6;
	v2 =	vsel vm3, $0x164, v2;
	v0 =	vsel vm2, $0x1D6, v0  }
0x9d: {  	v4 =	vsel vm0, v61, v4;
	v6 =	vsel vm5, $0x153, v6;
	[tilespmem:$0x1FFD0] =	vst v0;
	v0 =	vsel vm4, $0x185, v2  }
0x9e: {  	v7 =	vsel vm0, v31, v30;
	v2 =	vsel vm3, $0x174, v6;
	v0 =	vsel vm1, $0x1A6, v0  }
0x9f: {  	v10 =	vsel vm0, v27, v44;
	v2 =	vsel vm4, $0x195, v2;
	v0 =	vsel vm2, $0x1C7, v0  }
0xa0: {  	v14 =	vcombine.low v25, v24;
	v6 =	vsel vm7, $0x102, v11;
	[tilespmem:$0x1FFE0] =	vst v0;
	v0 =	vsel vm1, $0x1B6, v2  }
0xa1: {  	v9 =	vcombine.low v43, v42;
	v2 =	vsel vm6, $0x123, v6;
	v0 =	vsel vm2, $0x1D7, v0  }
0xa2: {  	v11 =	vsel vm0, v33, v32;
	[tilespmem:$0x1FFF0] =	vst v0;
	v0 =	vsel vm5, $0x144, v2;
	v2 =	vsel vm7, $0x112, v15  }
0xa3: {  	v6 =	vsel vm7, $0x103, v13;
	v0 =	vsel vm3, $0x165, v0;
	v2 =	vsel vm6, $0x133, v2  }
0xa4: {  	v6 =	vsel vm6, $0x124, v6;
	v0 =	vsel vm4, $0x186, v0;
	v2 =	vsel vm5, $0x154, v2  }
0xa5: {  	v6 =	vsel vm5, $0x145, v6;
	v0 =	vsel vm1, $0x1A7, v0;
	v2 =	vsel vm3, $0x175, v2  }
0xa6: {  	v54 =	vsel vm2, $0x1C8, v0;
	v0 =	vsel vm4, $0x196, v2;
	v2 =	vsel vm3, $0x166, v6  }
0xa7: {  	v6 =	vsel vm7, $0x113, v12;
	v0 =	vsel vm1, $0x1B7, v0;
	v2 =	vsel vm4, $0x187, v2  }
0xa8: {  	v55 =	vsel vm2, $0x1D8, v0;
	v0 =	vsel vm1, $0x1A8, v2;
	v2 =	vsel vm6, $0x134, v6  }
0xa9: {  	v56 =	vsel vm2, $0x1C9, v0;
	v0 =	vsel vm5, $0x155, v2;
	v2 =	vsel vm7, $0x104, v16  }
0xaa: {  	v6 =	vsel vm7, $0x114, v21;
	v0 =	vsel vm3, $0x176, v0;
	v2 =	vsel vm6, $0x125, v2  }
0xab: {  	v6 =	vsel vm6, $0x135, v6;
	v0 =	vsel vm4, $0x197, v0;
	v2 =	vsel vm5, $0x146, v2  }
0xac: {  	v6 =	vsel vm5, $0x156, v6;
	v0 =	vsel vm1, $0x1B8, v0;
	v2 =	vsel vm3, $0x167, v2  }
0xad: {  	s1 =	rddreg [dreg:$0x0];
	s0 =	srdreg.scid;
	v57 =	vsel vm2, $0x1D9, v0;
	v0 =	vsel vm4, $0x188, v2;
	v2 =	vsel vm3, $0x177, v6  }
0xae: {  	s7 =	stileid.u32;
	s3 =	rddreg [dreg:$0x2];
	v6 =	vsel vm7, $0x105, v17;
	v0 =	vsel vm1, $0x1A9, v0;
	v2 =	vsel vm4, $0x198, v2  }
0xaf: {  	s4 =	simm.s32 $0x0;
	s28 =	simm.s32 $0x5000;
	s29 =	simm.s32 $0x3;
	v58 =	vsel vm2, $0x1CA, v0;
	v0 =	vsel vm1, $0x1B9, v2;
	v2 =	vsel vm6, $0x126, v6  }
0xb0: {  	s30 =	simm.s32 $0x6000;
	s31 =	simm.s32 $0x4;
	s16 =	simm.s32 $0x8;
	v59 =	vsel vm2, $0x1DA, v0;
	v0 =	vsel vm5, $0x147, v2;
	v2 =	vsel vm7, $0x115, v18  }
0xb1: {  	s2 =	sand.u32 $0x1, s0;
	s19 =	sshll.u32 s7, $0x1;
	[smem:$0x7FF] =	sst s4;
	v6 =	vsel vm7, $0x106, v19;
	v0 =	vsel vm3, $0x168, v0;
	v2 =	vsel vm6, $0x136, v2  }
0xb2: {  	s25 =	sadd.s32 $0x3D0800, s3;
	p1 =	sgt.u32 s7, $0x1;
	s7 =	simm.s32 $0x0;
	v6 =	vsel vm6, $0x127, v6;
	v0 =	vsel vm4, $0x189, v0;
	v2 =	vsel vm5, $0x157, v2  }
0xb3: {  	s0 =	sor.u32 s2, s19;
	s2 =	ssub.s32 $0x2, s2;
	s19 =	simm.s32 $0x400;
	v6 =	vsel vm5, $0x148, v6;
	v0 =	vsel vm1, $0x1AA, v0;
	v2 =	vsel vm3, $0x178, v2  }
0xb4: {  	s5 =	sshll.u32 s0, $0x7;
	s6 =	sshrl.u32 s2, $0x1;
	s9 =	sshll.u32 s0, $0x9;
	v60 =	vsel vm2, $0x1CB, v0;
	v0 =	vsel vm4, $0x199, v2;
	v2 =	vsel vm3, $0x169, v6  }
0xb5: {  	s22 =	sor.u32 $0x1E80, s0;
	p0 =	sne.s32 s0, $0x4;
	s8 =	sadd.s32 s1, s5;
	v12 =	vcombine.low v11, v7;
	v0 =	vsel vm1, $0x1BA, v0;
	v2 =	vsel vm4, $0x18A, v2  }
0xb6: {  	s2 =	ssub.s32 s2, s6;
	s11 =	sadd.s32 s3, s9;
	s24 =	sshll.u32 s22, $0x9;
	[tilespmem:$0x1FF40] =	vst v26;
	v61 =	vsel vm2, $0x1DB, v0;
	v0 =	vsel vm1, $0x1AB, v2;
	v2 =	vsel vm6, $0x137, v3  }
0xb7: {  	s23 =	sshll.u32 s22, $0x7;
	s22 =	simm.s32 $0x2000;
	s5 =	sadd.s32 $0x1000, s8;
	[tilespmem:$0x1FF50] =	vst v22;
	v62 =	vsel vm2, $0x1CC, v0;
	v0 =	vsel vm5, $0x158, v2;
	v2 =	vsel vm7, $0x107, v5  }
0xb8: {  	s20 =	sadd.s32 $0x2000, s8;
	_ =	strace $0x80000047;
	[dreg:$0x5] =	wrdreg s5;
	v17 =	vsel vm0, v35, v34;
	v0 =	vsel vm3, $0x179, v0;
	v2 =	vsel vm6, $0x128, v2  }
0xb9: {  	s6 =	simm.s32 $0x9;
	s21 =	sadd.s32 $0x3000, s8;
	v37 =	vmovc v42;
	v52 =	vmovc v24;
	[dreg:$0x6] =	wrdreg s20;
	v3 =	vsel vm7, $0x117, v4;
	v0 =	vsel vm4, $0x19A, v0;
	v2 =	vsel vm5, $0x149, v2  }
0xba: {  	s10 =	sadd.s32 $0x4000, s8;
	s12 =	sadd.s32 $0x5000, s8;
	v38 =	vmovc v43;
	v53 =	vmovc v25;
	[dreg:$0x7] =	wrdreg s21;
	v3 =	vsel vm6, $0x138, v3;
	v0 =	vsel vm1, $0x1BB, v0;
	v2 =	vsel vm3, $0x16A, v2  }
0xbb: {  	s13 =	sadd.s32 $0x6000, s8;
	s1 =	sadd.s32 s1, s23;
	v45 =	vmovc v30;
	v46 =	vmovc v31;
	[dreg:$0x4] =	wrdreg s8;
	v3 =	vsel vm5, $0x159, v3;
	v63 =	vsel vm2, $0x1DC, v0;
	v0 =	vsel vm4, $0x18B, v2  }
.Ltmp0:
0xbc: {  	s14 =	sadd.s32 $0x7000, s8;
	v49 =	vmovc v35;
	v48 =	vmovc v34;
	[dreg:$0x8] =	wrdreg s1;
	v3 =	vsel vm3, $0x17A, v3;
	v2 =	vunpack.c.0.s8.s32 v1;
	v0 =	vsel vm1, $0x1AC, v0;
	(pc) =	sbr.rel .LBB2_1-.Ltmp0, $4  }
0xbd: {  	s26 =	smax.u32 s2, $0x1;
	s23 =	simm.s32 $0x3000;
	v50 =	vmovc v36;
	v51 =	vmovc v23;
	[dreg:$0xa] =	wrdreg s25;
	v1 =	vsel vm4, $0x19B, v3;
	v3 =	vsel vm2, $0x1CD, v0;
	v0 =	vlaneseq.u32  }
0xbe: {  	s2 =	simm.s32 $0x7000;
	v40 =	vmovc v27;
	v41 =	vmovc v32;
	s1 =	sadd.s32 s3, s24;
	[dreg:$0xb] =	wrdreg s26;
	v18 =	vsel vm0, v23, v36;
	v5 =	vsel vm0, v29, v28;
	v8 =	vmul.u32 $0x21, v0  }
0xbf: {  	v39 =	vmovc v44;
	v44 =	vmovc v29;
	s20 =	simm.s32 $0x7A1400;
	s21 =	simm.s32 $0x1000;
	s24 =	simm.s32 $0x1;
	v13 =	vcombine.low v18, v17;
	v6 =	vcombine.low v5, v10;
	v1 =	vsel vm1, $0x1BC, v1  }
0xc0: {  	v43 =	vmovc v28;
	v42 =	vmovc v33;
	s25 =	simm.s32 $0x4000;
	s26 =	simm.s32 $0x2;
	[dreg:$0x9] =	wrdreg s1;
	v1 =	vsel vm2, $0x1DD, v1;
	v4 =	vor.u32 $0x10, v0;
	v19 =	vadd.s32 $0x10, v8  }
.LBB2_15:
0xc1: {  	s0 =	simm.s32 @!p0 $0x0;
	s1 =	simm.s32 @!p0 $0x4000;
	s5 =	rddreg [dreg:$0x1]  }
0xc2: {  	[tilespmem:s1], [sflag:$0x9] =	stream.linear.gather @!p0 [hbm4b:s5+s0], $0x800, $0x38;
	[tilespmem:$0xA000] =	vst v63  }
0xc3: {  	s5 =	simm.s32 @!p0 $0x9  }
0xc4: {  	_ =	swait.ge @!p0 [sflag:s5], $0x800  }
0xc5: {  	[sflag:s5] =	ssyncset.done @!p0 $0x0  }
0xc6: {  	s8 =	rddreg [dreg:$0xa];
	[sflag:s5] =	ssyncadd.s32 @!p0 $0xFFFFF800  }
0xc7: {  	[hbm4b:s8+s0] =	stream.linear.scatter @!p0 [tilespmem:s1], [sflag:$0x9], $0x800, $0x38;
	[tilespmem:$0xA000] =	vst v63  }
0xc8: {  	_ =	swait.ge @!p0 [sflag:s5], $0x800  }
0xc9: {  	s7 =	sadd.s32 $0x1, s7;
	s18 =	rddreg [dreg:$0xb]  }
0xca: {  	p2 =	sne.s32 s7, s18  }
.Ltmp1:
0xcb: {  	_ = 	snop;
	(pc) =	sbr.rel @!p2 .LBB2_16-.Ltmp1, $3  }
0xcc: {  	_ =	sdelay $0x1  }
0xcd: {  	[sflag:s5] =	ssyncset.done @!p0 $0x0  }
0xce: {  	[sflag:s5] =	ssyncadd.s32 @!p0 $0xFFFFF800  }
.LBB2_1:
0xcf: {  	v15 =	vsel vm0, v43, v40;
	v16 =	vsel vm0, v39, v44  }
0xd0: {  	v21 =	vcombine.low v16, v15;
	v15 =	vcombine.low v15, v16  }
0xd1: {  	v22 =	vsel vm0, v41, v46;
	v26 =	vsel vm0, v45, v42  }
0xd2: {  	[tilespmem:$0x8F00] =	vst v15;
	v15 =	vcombine.low v22, v26;
	_ =	sdelay $0x1  }
0xd3: {  	[tilespmem:$0x8F80] =	vst v15;
	v15 =	vld [tilespmem:$0x1FDD0];
	_ =	sdelay $0x4  }
0xd4: {  	[tilespmem:$0x8080] =	vst v15;
	v15 =	vld [tilespmem:$0x1FDE0];
	_ =	sdelay $0x4  }
0xd5: {  	[tilespmem:$0x9080] =	vst v15;
	v15 =	vld [tilespmem:$0x1FDF0];
	_ =	sdelay $0x4  }
0xd6: {  	[tilespmem:$0x9880] =	vst v15;
	v15 =	vld [tilespmem:$0x1FE20];
	_ =	sdelay $0x4  }
0xd7: {  	[tilespmem:$0x8100] =	vst v15;
	v15 =	vld [tilespmem:$0x1FE30];
	_ =	sdelay $0x4  }
0xd8: {  	[tilespmem:$0x9100] =	vst v15;
	v15 =	vld [tilespmem:$0x1FE60];
	_ =	sdelay $0x4  }
0xd9: {  	[tilespmem:$0x9900] =	vst v15;
	v15 =	vld [tilespmem:$0x1FE70];
	_ =	sdelay $0x4  }
0xda: {  	[tilespmem:$0x8180] =	vst v15;
	v15 =	vld [tilespmem:$0x1FE80];
	_ =	sdelay $0x4  }
0xdb: {  	[tilespmem:$0x9180] =	vst v15;
	v15 =	vld [tilespmem:$0x1FEB0];
	_ =	sdelay $0x4  }
0xdc: {  	[tilespmem:$0x9980] =	vst v15;
	v15 =	vld [tilespmem:$0x1FEC0];
	_ =	sdelay $0x4  }
0xdd: {  	[tilespmem:$0x8200] =	vst v15;
	v15 =	vld [tilespmem:$0x1FED0];
	_ =	sdelay $0x4  }
0xde: {  	[tilespmem:$0x9200] =	vst v15;
	v15 =	vld [tilespmem:$0x1FEE0];
	_ =	sdelay $0x4  }
0xdf: {  	[tilespmem:$0x9A00] =	vst v15;
	v15 =	vld [tilespmem:$0x1FF20];
	_ =	sdelay $0x4  }
0xe0: {  	[tilespmem:$0x8280] =	vst v15;
	v15 =	vld [tilespmem:$0x1FF30];
	_ =	sdelay $0x4  }
0xe1: {  	[tilespmem:$0x9280] =	vst v15;
	v15 =	vld [tilespmem:$0x1FF60];
	_ =	sdelay $0x4  }
0xe2: {  	[tilespmem:$0x9A80] =	vst v15;
	v15 =	vld [tilespmem:$0x1FF70];
	_ =	sdelay $0x3  }
0xe3: {  	[tilespmem:$0x8000] =	vst v0  }
0xe4: {  	[tilespmem:$0x8300] =	vst v15;
	v15 =	vld [tilespmem:$0x1FF80]  }
0xe5: {  	[tilespmem:$0x9000] =	vst v8  }
0xe6: {  	[tilespmem:$0x8800] =	vst v4  }
0xe7: {  	[tilespmem:$0x9800] =	vst v19  }
0xe8: {  	[tilespmem:$0x8880] =	vst v9  }
0xe9: {  	[tilespmem:$0x9300] =	vst v15;
	v15 =	vld [tilespmem:$0x1FF90]  }
0xea: {  	[tilespmem:$0x8900] =	vst v6  }
0xeb: {  	[tilespmem:$0x8980] =	vst v12  }
0xec: {  	[tilespmem:$0x8A00] =	vst v13  }
0xed: {  	[tilespmem:$0x8A80] =	vst v14  }
0xee: {  	[tilespmem:$0x9B00] =	vst v15;
	v15 =	vld [tilespmem:$0x1FFA0]  }
0xef: {  	[tilespmem:$0x9500] =	vst v54  }
0xf0: {  	[tilespmem:$0x9D00] =	vst v55  }
0xf1: {  	[tilespmem:$0x9580] =	vst v56  }
0xf2: {  	[tilespmem:$0x9D80] =	vst v57  }
0xf3: {  	[tilespmem:$0x9380] =	vst v15;
	v15 =	vld [tilespmem:$0x1FFB0]  }
0xf4: {  	[tilespmem:$0x9600] =	vst v58  }
0xf5: {  	[tilespmem:$0x9E00] =	vst v59  }
0xf6: {  	[tilespmem:$0x9680] =	vst v60  }
0xf7: {  	v23 =	vld [tilespmem:$0x1FDB0];
	[tilespmem:$0x9E80] =	vst v61  }
0xf8: {  	[tilespmem:$0x9B80] =	vst v15;
	v15 =	vld [tilespmem:$0x1FF10]  }
0xf9: {  	v24 =	vld [tilespmem:$0x1FDC0];
	[tilespmem:$0x9700] =	vst v62  }
0xfa: {  	v33 =	vld [tilespmem:$0x1FE00];
	[tilespmem:$0x9F00] =	vst v63  }
0xfb: {  	v34 =	vld [tilespmem:$0x1FE10];
	[tilespmem:$0x9780] =	vst v3  }
0xfc: {  	v32 =	vcombine.low v37, v38;
	v29 =	vld [tilespmem:$0x1FE40];
	[tilespmem:$0x9F80] =	vst v1  }
0xfd: {  	v20 =	vcombine.low v2, v47;
	[tilespmem:$0x8400] =	vst v15;
	v15 =	vld [tilespmem:$0x1FFC0]  }
0xfe: {  	v30 =	vld [tilespmem:$0x1FE50];
	[tilespmem:$0x8C80] =	vst v32  }
0xff: {  	v36 =	vcombine.low v26, v22;
	v20 =	vand.u32 $0xF, v20;
	[tilespmem:$0x8B00] =	vst v21  }
0x100: {  	v27 =	vsel vm0, v50, v49;
	v28 =	vsel vm0, v48, v51;
	[tilespmem:$0x8380] =	vst v20;
	v35 =	vcombine.low v33, v34;
	v33 =	vld [tilespmem:$0x1FE90]  }
0x101: {  	v20 =	vcombine.low v28, v27;
	[tilespmem:$0x8B80] =	vst v36;
	v31 =	vcombine.low v23, v24;
	v34 =	vld [tilespmem:$0x1FEA0]  }
0x102: {  	[tilespmem:$0x9400] =	vst v15;
	v15 =	vld [tilespmem:$0x1FFD0]  }
0x103: {  	[tilespmem:$0x8C00] =	vst v20;
	v20 =	vand.u32 $0xF, v31;
	v31 =	vcombine.low v29, v30  }
0x104: {  	v32 =	vcombine.low v7, v11;
	v30 =	vld [tilespmem:$0x1FEF0];
	[tilespmem:$0x8480] =	vst v20;
	v20 =	vand.u32 $0xF, v35  }
0x105: {  	[tilespmem:$0x8500] =	vst v20;
	v20 =	vand.u32 $0xF, v31;
	v31 =	vld [tilespmem:$0x1FF00]  }
0x106: {  	[tilespmem:$0x8D80] =	vst v32;
	v35 =	vcombine.low v33, v34;
	v34 =	vld [tilespmem:$0x1FF40]  }
0x107: {  	v16 =	vcombine.low v47, v2;
	v36 =	vcombine.low v10, v5;
	[tilespmem:$0x9C00] =	vst v15;
	v15 =	vld [tilespmem:$0x1FFE0]  }
0x108: {  	[tilespmem:$0x8580] =	vst v20;
	v20 =	vand.u32 $0xF, v35;
	v35 =	vld [tilespmem:$0x1FF50]  }
0x109: {  	v16 =	vand.u32 $0xF, v16;
	[tilespmem:$0x8D00] =	vst v36;
	v36 =	vcombine.low v17, v18  }
0x10a: {  	[tilespmem:$0x8780] =	vst v16  }
0x10b: {  	[tilespmem:$0x8E00] =	vst v36;
	v33 =	vcombine.low v52, v53  }
0x10c: {  	v32 =	vcombine.low v30, v31;
	[tilespmem:$0x9480] =	vst v15;
	v15 =	vld [tilespmem:$0x1FFF0]  }
0x10d: {  	[tilespmem:$0x8E80] =	vst v33;
	v36 =	vcombine.low v34, v35  }
0x10e: {  	[tilespmem:$0x8600] =	vst v20;
	v20 =	vand.u32 $0xF, v32  }
0x10f: {  	[tilespmem:$0x8680] =	vst v20;
	v20 =	vand.u32 $0xF, v36  }
0x110: {  	[tilespmem:$0x8700] =	vst v20  }
0x111: {  	s0 =	rddreg [dreg:$0x4];
	[tilespmem:$0x9C80] =	vst v15  }
0x112: {  	[tilespmem:s4], [sflag:$0x1] =	stream.strided.gather [hbm4b:s0+s19], $0x1000, s20, s19, $0x38;
	[tilespmem:$0xA000] =	vst v63  }
0x113: {  	s15 =	rddreg [dreg:$0x5]  }
0x114: {  	[tilespmem:s21], [sflag:$0x2] =	stream.strided.gather [hbm4b:s15+s19], $0x1000, s20, s19, $0x38;
	[tilespmem:$0xA000] =	vst v63  }
0x115: {  	s17 =	rddreg [dreg:$0x6]  }
0x116: {  	[tilespmem:s22], [sflag:$0x3] =	stream.strided.gather [hbm4b:s17+s19], $0x1000, s20, s19, $0x38;
	[tilespmem:$0xA000] =	vst v63  }
0x117: {  	s18 =	rddreg [dreg:$0x7];
	s8 =	simm.s32 $0x0  }
0x118: {  	[tilespmem:s23], [sflag:$0x4] =	stream.strided.gather [hbm4b:s18+s19], $0x1000, s20, s19, $0x38;
	[tilespmem:$0xA000] =	vst v63  }
.LBB2_2:
0x119: {  	_ =	swait.ge [sflag:s24], $0x1000  }
0x11a: {  	p2 =	seq.s32 s8, $0x0;
	[sflag:s24] =	ssyncset.done $0x0  }
0x11b: {  	s5 =	simm.s32 @!p2 $0x5;
	[sflag:s24] =	ssyncadd.s32 $0xFFFFF000  }
0x11c: {  	_ =	swait.ge @!p2 [sflag:s5], $0x1000  }
0x11d: {  	[sflag:s5] =	ssyncset.done @!p2 $0x0  }
0x11e: {  	s17 =	sshll.u32 s8, $0xE;
	s18 =	simm.s32 $0x0;
	[sflag:s5] =	ssyncadd.s32 @!p2 $0xFFFFF000  }
.LBB2_3:
0x11f: {  	s5 =	sshra.s32 s18, $0x2  }
0x120: {  	v15 =	vld [tilespmem:s5+$0x8000];
	_ =	sdelay $0x4  }
0x121: {  	v27 =	vshll.u32 v15, $0x7  }
0x122: {  	v22 =	vor.u32 v0, v27  }
0x123: {  	v28 =	vld [tilespmem:s5+$0x9000];
	v15 =	vor.u32 $0x20, v0;
	v23 =	vor.u32 v4, v27  }
0x124: {  	v16 =	vor.u32 $0x30, v0;
	v24 =	vor.u32 v15, v27  }
0x125: {  	v20 =	vor.u32 $0x40, v0;
	v25 =	vor.u32 v16, v27  }
0x126: {  	v21 =	vor.u32 $0x50, v0;
	v35 =	vor.u32 v20, v27  }
0x127: {  	v26 =	vor.u32 $0x60, v0;
	v30 =	vor.u32 v21, v27;
	v29 =	vld.idx.msk [tilespmem:v22+s4+$0x0], $0xffff  }
0x128: {  	v31 =	vadd.s32 $0x200, v28;
	v32 =	vor.u32 v26, v27;
	v23 =	vld.idx.msk [tilespmem:v23+s4+$0x0], $0xffff;
	v22 =	vor.u32 $0x70, v0  }
0x129: {  	v33 =	vadd.s32 $0x400, v28;
	v24 =	vld.idx.msk [tilespmem:v24+s4+$0x0], $0xffff;
	v27 =	vor.u32 v22, v27  }
0x12a: {  	v34 =	vadd.s32 $0x600, v28;
	v25 =	vld.idx.msk [tilespmem:v25+s4+$0x0], $0xffff  }
0x12b: {  	v36 =	vadd.s32 $0x800, v28;
	v35 =	vld.idx.msk [tilespmem:v35+s4+$0x0], $0xffff  }
0x12c: {  	[tilespmem:v28+s25+$0x0] =	vst.idx.msk $0xffff, v29;
	v29 =	vld.idx.msk [tilespmem:v30+s4+$0x0], $0xffff;
	v30 =	vadd.s32 $0xA00, v28  }
0x12d: {  	[tilespmem:v31+s25+$0x0] =	vst.idx.msk $0xffff, v23;
	v23 =	vld.idx.msk [tilespmem:v32+s4+$0x0], $0xffff;
	v31 =	vadd.s32 $0xC00, v28  }
0x12e: {  	[tilespmem:v33+s25+$0x0] =	vst.idx.msk $0xffff, v24;
	v24 =	vld.idx.msk [tilespmem:v27+s4+$0x0], $0xffff;
	v27 =	vadd.s32 $0xE00, v28  }
0x12f: {  	[tilespmem:v34+s25+$0x0] =	vst.idx.msk $0xffff, v25  }
0x130: {  	[tilespmem:v36+s25+$0x0] =	vst.idx.msk $0xffff, v35  }
0x131: {  	[tilespmem:v30+s25+$0x0] =	vst.idx.msk $0xffff, v29  }
0x132: {  	[tilespmem:v31+s25+$0x0] =	vst.idx.msk $0xffff, v23  }
0x133: {  	[tilespmem:v27+s25+$0x0] =	vst.idx.msk $0xffff, v24  }
0x134: {  	v23 =	vld [tilespmem:s5+$0x8800];
	_ =	sdelay $0x4  }
0x135: {  	v23 =	vshll.u32 v23, $0x7  }
0x136: {  	v24 =	vld [tilespmem:s5+$0x9800];
	v25 =	vor.u32 v4, v23  }
0x137: {  	v27 =	vor.u32 v15, v23  }
0x138: {  	v28 =	vor.u32 v0, v23  }
0x139: {  	v29 =	vor.u32 v16, v23  }
0x13a: {  	v36 =	vor.u32 v20, v23  }
0x13b: {  	v31 =	vadd.s32 $0x200, v24;
	v32 =	vor.u32 v21, v23;
	v25 =	vld.idx.msk [tilespmem:v25+s4+$0x0], $0xffff  }
0x13c: {  	v33 =	vadd.s32 $0x400, v24;
	v34 =	vor.u32 v26, v23;
	v27 =	vld.idx.msk [tilespmem:v27+s4+$0x0], $0xffff  }
0x13d: {  	v23 =	vor.u32 v22, v23;
	v28 =	vld.idx.msk [tilespmem:v28+s4+$0x0], $0xffff  }
0x13e: {  	v35 =	vadd.s32 $0x600, v24;
	v29 =	vld.idx.msk [tilespmem:v29+s4+$0x0], $0xffff  }
0x13f: {  	v30 =	vld.idx.msk [tilespmem:v36+s4+$0x0], $0xffff;
	v36 =	vadd.s32 $0x800, v24  }
0x140: {  	[tilespmem:v31+s25+$0x0] =	vst.idx.msk $0xffff, v25;
	v25 =	vld.idx.msk [tilespmem:v32+s4+$0x0], $0xffff;
	v31 =	vadd.s32 $0xA00, v24  }
0x141: {  	[tilespmem:v33+s25+$0x0] =	vst.idx.msk $0xffff, v27;
	v27 =	vld.idx.msk [tilespmem:v34+s4+$0x0], $0xffff;
	v32 =	vadd.s32 $0xC00, v24  }
0x142: {  	p3 =	sne.s32 s18, $0x1E00;
	v23 =	vld.idx.msk [tilespmem:v23+s4+$0x0], $0xffff;
	[tilespmem:v24+s25+$0x0] =	vst.idx.msk $0xffff, v28;
	v24 =	vadd.s32 $0xE00, v24  }
.Ltmp2:
0x143: {  	[tilespmem:v35+s25+$0x0] =	vst.idx.msk $0xffff, v29;
	(pc) =	sbr.rel @p3 .LBB2_3-.Ltmp2, $4  }
0x144: {  	[tilespmem:v36+s25+$0x0] =	vst.idx.msk $0xffff, v30  }
0x145: {  	[tilespmem:v31+s25+$0x0] =	vst.idx.msk $0xffff, v25  }
0x146: {  	[tilespmem:v32+s25+$0x0] =	vst.idx.msk $0xffff, v27  }
0x147: {  	s18 =	sadd.s32 $0x200, s18;
	[tilespmem:v24+s25+$0x0] =	vst.idx.msk $0xffff, v23  }
0x148: {  	p3 =	seq.s32 s8, $0x3C  }
0x149: {  	s5 =	sadd.s32 @!p3 s17, s10  }
0x14a: {  	s18 =	simm.s32 @!p3 $0x400;
	s1 =	simm.s32 @!p3 $0x7A1400;
	s0 =	simm.s32 @!p3 $0x0  }
0x14b: {  	[tilespmem:s0], [sflag:$0x1] =	stream.strided.gather @!p3 [hbm4b:s5+s18], $0x1000, s1, s18, $0x38;
	[tilespmem:$0xA000] =	vst v63  }
0x14c: {  	s18 =	sshll.u32 s8, $0x10  }
0x14d: {  	s15 =	sadd.s32 s18, s11  }
0x14e: {  	[hbm4b:s15+s4] =	stream.linear.scatter [tilespmem:s25], [sflag:$0x5], $0x1000, $0x38;
	[tilespmem:$0xA000] =	vst v63  }
0x14f: {  	_ =	swait.ge [sflag:s26], $0x1000  }
0x150: {  	[sflag:s26] =	ssyncset.done $0x0  }
0x151: {  	s0 =	simm.s32 @!p2 $0x6;
	[sflag:s26] =	ssyncadd.s32 $0xFFFFF000  }
0x152: {  	_ =	swait.ge @!p2 [sflag:s0], $0x1000  }
0x153: {  	[sflag:s0] =	ssyncset.done @!p2 $0x0  }
0x154: {  	s5 =	simm.s32 $0x0;
	[sflag:s0] =	ssyncadd.s32 @!p2 $0xFFFFF000  }
.LBB2_5:
0x155: {  	s0 =	sshra.s32 s5, $0x2  }
0x156: {  	v23 =	vld [tilespmem:s0+$0x8000];
	_ =	sdelay $0x4  }
0x157: {  	v23 =	vshll.u32 v23, $0x7  }
0x158: {  	v24 =	vor.u32 v0, v23  }
0x159: {  	v25 =	vld [tilespmem:s0+$0x9000];
	v27 =	vor.u32 v4, v23  }
0x15a: {  	v28 =	vor.u32 v15, v23  }
0x15b: {  	v29 =	vor.u32 v16, v23  }
0x15c: {  	v30 =	vor.u32 v20, v23  }
0x15d: {  	v31 =	vor.u32 v21, v23;
	v24 =	vld.idx.msk [tilespmem:v24+s21+$0x0], $0xffff  }
0x15e: {  	v32 =	vadd.s32 $0x200, v25;
	v33 =	vor.u32 v26, v23;
	v27 =	vld.idx.msk [tilespmem:v27+s21+$0x0], $0xffff  }
0x15f: {  	v34 =	vadd.s32 $0x400, v25;
	v23 =	vor.u32 v22, v23;
	v28 =	vld.idx.msk [tilespmem:v28+s21+$0x0], $0xffff  }
0x160: {  	v35 =	vadd.s32 $0x600, v25;
	v29 =	vld.idx.msk [tilespmem:v29+s21+$0x0], $0xffff  }
0x161: {  	v36 =	vadd.s32 $0x800, v25;
	v30 =	vld.idx.msk [tilespmem:v30+s21+$0x0], $0xffff  }
0x162: {  	[tilespmem:v25+s28+$0x0] =	vst.idx.msk $0xffff, v24;
	v24 =	vld.idx.msk [tilespmem:v31+s21+$0x0], $0xffff;
	v31 =	vadd.s32 $0xA00, v25  }
0x163: {  	[tilespmem:v32+s28+$0x0] =	vst.idx.msk $0xffff, v27;
	v27 =	vld.idx.msk [tilespmem:v33+s21+$0x0], $0xffff;
	v32 =	vadd.s32 $0xC00, v25  }
0x164: {  	v23 =	vld.idx.msk [tilespmem:v23+s21+$0x0], $0xffff;
	[tilespmem:v34+s28+$0x0] =	vst.idx.msk $0xffff, v28;
	v25 =	vadd.s32 $0xE00, v25  }
0x165: {  	[tilespmem:v35+s28+$0x0] =	vst.idx.msk $0xffff, v29  }
0x166: {  	[tilespmem:v36+s28+$0x0] =	vst.idx.msk $0xffff, v30  }
0x167: {  	[tilespmem:v31+s28+$0x0] =	vst.idx.msk $0xffff, v24  }
0x168: {  	[tilespmem:v32+s28+$0x0] =	vst.idx.msk $0xffff, v27  }
0x169: {  	[tilespmem:v25+s28+$0x0] =	vst.idx.msk $0xffff, v23  }
0x16a: {  	v23 =	vld [tilespmem:s0+$0x8800];
	_ =	sdelay $0x4  }
0x16b: {  	v23 =	vshll.u32 v23, $0x7  }
0x16c: {  	v24 =	vld [tilespmem:s0+$0x9800];
	v25 =	vor.u32 v4, v23  }
0x16d: {  	v27 =	vor.u32 v15, v23  }
0x16e: {  	v28 =	vor.u32 v0, v23  }
0x16f: {  	v29 =	vor.u32 v16, v23  }
0x170: {  	v36 =	vor.u32 v20, v23  }
0x171: {  	v31 =	vadd.s32 $0x200, v24;
	v32 =	vor.u32 v21, v23;
	v25 =	vld.idx.msk [tilespmem:v25+s21+$0x0], $0xffff  }
0x172: {  	v33 =	vadd.s32 $0x400, v24;
	v34 =	vor.u32 v26, v23;
	v27 =	vld.idx.msk [tilespmem:v27+s21+$0x0], $0xffff  }
0x173: {  	v23 =	vor.u32 v22, v23;
	v28 =	vld.idx.msk [tilespmem:v28+s21+$0x0], $0xffff  }
0x174: {  	v35 =	vadd.s32 $0x600, v24;
	v29 =	vld.idx.msk [tilespmem:v29+s21+$0x0], $0xffff  }
0x175: {  	v30 =	vld.idx.msk [tilespmem:v36+s21+$0x0], $0xffff;
	v36 =	vadd.s32 $0x800, v24  }
0x176: {  	[tilespmem:v31+s28+$0x0] =	vst.idx.msk $0xffff, v25;
	v25 =	vld.idx.msk [tilespmem:v32+s21+$0x0], $0xffff;
	v31 =	vadd.s32 $0xA00, v24  }
0x177: {  	[tilespmem:v33+s28+$0x0] =	vst.idx.msk $0xffff, v27;
	v27 =	vld.idx.msk [tilespmem:v34+s21+$0x0], $0xffff;
	v32 =	vadd.s32 $0xC00, v24  }
0x178: {  	p4 =	sne.s32 s5, $0x1E00;
	v23 =	vld.idx.msk [tilespmem:v23+s21+$0x0], $0xffff;
	[tilespmem:v24+s28+$0x0] =	vst.idx.msk $0xffff, v28;
	v24 =	vadd.s32 $0xE00, v24  }
.Ltmp3:
0x179: {  	[tilespmem:v35+s28+$0x0] =	vst.idx.msk $0xffff, v29;
	(pc) =	sbr.rel @p4 .LBB2_5-.Ltmp3, $4  }
0x17a: {  	[tilespmem:v36+s28+$0x0] =	vst.idx.msk $0xffff, v30  }
0x17b: {  	[tilespmem:v31+s28+$0x0] =	vst.idx.msk $0xffff, v25  }
0x17c: {  	[tilespmem:v32+s28+$0x0] =	vst.idx.msk $0xffff, v27  }
0x17d: {  	s5 =	sadd.s32 $0x200, s5;
	[tilespmem:v24+s28+$0x0] =	vst.idx.msk $0xffff, v23  }
0x17e: {  	s0 =	sadd.s32 @!p3 s17, s12;
	s1 =	simm.s32 @!p3 $0x400  }
0x17f: {  	s5 =	simm.s32 @!p3 $0x7A1400;
	s15 =	simm.s32 @!p3 $0x1000;
	s18 =	sor.u32 s9, s18  }
0x180: {  	[tilespmem:s15], [sflag:$0x2] =	stream.strided.gather @!p3 [hbm4b:s0+s1], $0x1000, s5, s1, $0x38;
	[tilespmem:$0xA000] =	vst v63  }
0x181: {  	s18 =	sadd.s32 s18, s3  }
0x182: {  	s0 =	sadd.s32 $0x4000, s18  }
0x183: {  	[hbm4b:s0+s4] =	stream.linear.scatter [tilespmem:s28], [sflag:$0x6], $0x1000, $0x38;
	[tilespmem:$0xA000] =	vst v63  }
0x184: {  	_ =	swait.ge [sflag:s29], $0x1000  }
0x185: {  	[sflag:s29] =	ssyncset.done $0x0  }
0x186: {  	s0 =	simm.s32 @!p2 $0x7;
	[sflag:s29] =	ssyncadd.s32 $0xFFFFF000  }
0x187: {  	_ =	swait.ge @!p2 [sflag:s0], $0x1000  }
0x188: {  	[sflag:s0] =	ssyncset.done @!p2 $0x0  }
0x189: {  	s5 =	simm.s32 $0x0;
	[sflag:s0] =	ssyncadd.s32 @!p2 $0xFFFFF000  }
.LBB2_7:
0x18a: {  	s0 =	sshra.s32 s5, $0x2  }
0x18b: {  	v23 =	vld [tilespmem:s0+$0x8000];
	_ =	sdelay $0x4  }
0x18c: {  	v23 =	vshll.u32 v23, $0x7  }
0x18d: {  	v24 =	vor.u32 v0, v23  }
0x18e: {  	v25 =	vld [tilespmem:s0+$0x9000];
	v27 =	vor.u32 v4, v23  }
0x18f: {  	v28 =	vor.u32 v15, v23  }
0x190: {  	v29 =	vor.u32 v16, v23  }
0x191: {  	v30 =	vor.u32 v20, v23  }
0x192: {  	v31 =	vor.u32 v21, v23;
	v24 =	vld.idx.msk [tilespmem:v24+s22+$0x0], $0xffff  }
0x193: {  	v32 =	vadd.s32 $0x200, v25;
	v33 =	vor.u32 v26, v23;
	v27 =	vld.idx.msk [tilespmem:v27+s22+$0x0], $0xffff  }
0x194: {  	v34 =	vadd.s32 $0x400, v25;
	v23 =	vor.u32 v22, v23;
	v28 =	vld.idx.msk [tilespmem:v28+s22+$0x0], $0xffff  }
0x195: {  	v35 =	vadd.s32 $0x600, v25;
	v29 =	vld.idx.msk [tilespmem:v29+s22+$0x0], $0xffff  }
0x196: {  	v36 =	vadd.s32 $0x800, v25;
	v30 =	vld.idx.msk [tilespmem:v30+s22+$0x0], $0xffff  }
0x197: {  	[tilespmem:v25+s30+$0x0] =	vst.idx.msk $0xffff, v24;
	v24 =	vld.idx.msk [tilespmem:v31+s22+$0x0], $0xffff;
	v31 =	vadd.s32 $0xA00, v25  }
0x198: {  	[tilespmem:v32+s30+$0x0] =	vst.idx.msk $0xffff, v27;
	v27 =	vld.idx.msk [tilespmem:v33+s22+$0x0], $0xffff;
	v32 =	vadd.s32 $0xC00, v25  }
0x199: {  	v23 =	vld.idx.msk [tilespmem:v23+s22+$0x0], $0xffff;
	[tilespmem:v34+s30+$0x0] =	vst.idx.msk $0xffff, v28;
	v25 =	vadd.s32 $0xE00, v25  }
0x19a: {  	[tilespmem:v35+s30+$0x0] =	vst.idx.msk $0xffff, v29  }
0x19b: {  	[tilespmem:v36+s30+$0x0] =	vst.idx.msk $0xffff, v30  }
0x19c: {  	[tilespmem:v31+s30+$0x0] =	vst.idx.msk $0xffff, v24  }
0x19d: {  	[tilespmem:v32+s30+$0x0] =	vst.idx.msk $0xffff, v27  }
0x19e: {  	[tilespmem:v25+s30+$0x0] =	vst.idx.msk $0xffff, v23  }
0x19f: {  	v23 =	vld [tilespmem:s0+$0x8800];
	_ =	sdelay $0x4  }
0x1a0: {  	v23 =	vshll.u32 v23, $0x7  }
0x1a1: {  	v24 =	vld [tilespmem:s0+$0x9800];
	v25 =	vor.u32 v4, v23  }
0x1a2: {  	v27 =	vor.u32 v15, v23  }
0x1a3: {  	v28 =	vor.u32 v0, v23  }
0x1a4: {  	v29 =	vor.u32 v16, v23  }
0x1a5: {  	v36 =	vor.u32 v20, v23  }
0x1a6: {  	v31 =	vadd.s32 $0x200, v24;
	v32 =	vor.u32 v21, v23;
	v25 =	vld.idx.msk [tilespmem:v25+s22+$0x0], $0xffff  }
0x1a7: {  	v33 =	vadd.s32 $0x400, v24;
	v34 =	vor.u32 v26, v23;
	v27 =	vld.idx.msk [tilespmem:v27+s22+$0x0], $0xffff  }
0x1a8: {  	v23 =	vor.u32 v22, v23;
	v28 =	vld.idx.msk [tilespmem:v28+s22+$0x0], $0xffff  }
0x1a9: {  	v35 =	vadd.s32 $0x600, v24;
	v29 =	vld.idx.msk [tilespmem:v29+s22+$0x0], $0xffff  }
0x1aa: {  	v30 =	vld.idx.msk [tilespmem:v36+s22+$0x0], $0xffff;
	v36 =	vadd.s32 $0x800, v24  }
0x1ab: {  	[tilespmem:v31+s30+$0x0] =	vst.idx.msk $0xffff, v25;
	v25 =	vld.idx.msk [tilespmem:v32+s22+$0x0], $0xffff;
	v31 =	vadd.s32 $0xA00, v24  }
0x1ac: {  	[tilespmem:v33+s30+$0x0] =	vst.idx.msk $0xffff, v27;
	v27 =	vld.idx.msk [tilespmem:v34+s22+$0x0], $0xffff;
	v32 =	vadd.s32 $0xC00, v24  }
0x1ad: {  	p4 =	sne.s32 s5, $0x1E00;
	v23 =	vld.idx.msk [tilespmem:v23+s22+$0x0], $0xffff;
	[tilespmem:v24+s30+$0x0] =	vst.idx.msk $0xffff, v28;
	v24 =	vadd.s32 $0xE00, v24  }
.Ltmp4:
0x1ae: {  	[tilespmem:v35+s30+$0x0] =	vst.idx.msk $0xffff, v29;
	(pc) =	sbr.rel @p4 .LBB2_7-.Ltmp4, $4  }
0x1af: {  	[tilespmem:v36+s30+$0x0] =	vst.idx.msk $0xffff, v30  }
0x1b0: {  	[tilespmem:v31+s30+$0x0] =	vst.idx.msk $0xffff, v25  }
0x1b1: {  	[tilespmem:v32+s30+$0x0] =	vst.idx.msk $0xffff, v27  }
0x1b2: {  	s5 =	sadd.s32 $0x200, s5;
	[tilespmem:v24+s30+$0x0] =	vst.idx.msk $0xffff, v23  }
0x1b3: {  	s0 =	sadd.s32 @!p3 s17, s13  }
0x1b4: {  	s1 =	simm.s32 @!p3 $0x400;
	s5 =	simm.s32 @!p3 $0x7A1400;
	s15 =	simm.s32 @!p3 $0x2000  }
0x1b5: {  	[tilespmem:s15], [sflag:$0x3] =	stream.strided.gather @!p3 [hbm4b:s0+s1], $0x1000, s5, s1, $0x38;
	[tilespmem:$0xA000] =	vst v63  }
0x1b6: {  	s15 =	sadd.s32 $0x8000, s18  }
0x1b7: {  	[hbm4b:s15+s4] =	stream.linear.scatter [tilespmem:s30], [sflag:$0x7], $0x1000, $0x38;
	[tilespmem:$0xA000] =	vst v63  }
0x1b8: {  	_ =	swait.ge [sflag:s31], $0x1000  }
0x1b9: {  	[sflag:s31] =	ssyncset.done $0x0  }
0x1ba: {  	s0 =	simm.s32 @!p2 $0x8;
	[sflag:s31] =	ssyncadd.s32 $0xFFFFF000  }
0x1bb: {  	_ =	swait.ge @!p2 [sflag:s0], $0x1000  }
0x1bc: {  	[sflag:s0] =	ssyncset.done @!p2 $0x0  }
0x1bd: {  	s5 =	simm.s32 $0x0;
	[sflag:s0] =	ssyncadd.s32 @!p2 $0xFFFFF000  }
.LBB2_9:
0x1be: {  	s0 =	sshra.s32 s5, $0x2  }
0x1bf: {  	v23 =	vld [tilespmem:s0+$0x8000];
	_ =	sdelay $0x4  }
0x1c0: {  	v23 =	vshll.u32 v23, $0x7  }
0x1c1: {  	v24 =	vor.u32 v0, v23  }
0x1c2: {  	v25 =	vld [tilespmem:s0+$0x9000];
	v27 =	vor.u32 v4, v23  }
0x1c3: {  	v28 =	vor.u32 v15, v23  }
0x1c4: {  	v29 =	vor.u32 v16, v23  }
0x1c5: {  	v30 =	vor.u32 v20, v23  }
0x1c6: {  	v31 =	vor.u32 v21, v23;
	v24 =	vld.idx.msk [tilespmem:v24+s23+$0x0], $0xffff  }
0x1c7: {  	v32 =	vadd.s32 $0x200, v25;
	v33 =	vor.u32 v26, v23;
	v27 =	vld.idx.msk [tilespmem:v27+s23+$0x0], $0xffff  }
0x1c8: {  	v34 =	vadd.s32 $0x400, v25;
	v23 =	vor.u32 v22, v23;
	v28 =	vld.idx.msk [tilespmem:v28+s23+$0x0], $0xffff  }
0x1c9: {  	v35 =	vadd.s32 $0x600, v25;
	v29 =	vld.idx.msk [tilespmem:v29+s23+$0x0], $0xffff  }
0x1ca: {  	v36 =	vadd.s32 $0x800, v25;
	v30 =	vld.idx.msk [tilespmem:v30+s23+$0x0], $0xffff  }
0x1cb: {  	[tilespmem:v25+s2+$0x0] =	vst.idx.msk $0xffff, v24;
	v24 =	vld.idx.msk [tilespmem:v31+s23+$0x0], $0xffff;
	v31 =	vadd.s32 $0xA00, v25  }
0x1cc: {  	[tilespmem:v32+s2+$0x0] =	vst.idx.msk $0xffff, v27;
	v27 =	vld.idx.msk [tilespmem:v33+s23+$0x0], $0xffff;
	v32 =	vadd.s32 $0xC00, v25  }
0x1cd: {  	v23 =	vld.idx.msk [tilespmem:v23+s23+$0x0], $0xffff;
	[tilespmem:v34+s2+$0x0] =	vst.idx.msk $0xffff, v28;
	v25 =	vadd.s32 $0xE00, v25  }
0x1ce: {  	[tilespmem:v35+s2+$0x0] =	vst.idx.msk $0xffff, v29  }
0x1cf: {  	[tilespmem:v36+s2+$0x0] =	vst.idx.msk $0xffff, v30  }
0x1d0: {  	[tilespmem:v31+s2+$0x0] =	vst.idx.msk $0xffff, v24  }
0x1d1: {  	[tilespmem:v32+s2+$0x0] =	vst.idx.msk $0xffff, v27  }
0x1d2: {  	[tilespmem:v25+s2+$0x0] =	vst.idx.msk $0xffff, v23  }
0x1d3: {  	v23 =	vld [tilespmem:s0+$0x8800];
	_ =	sdelay $0x4  }
0x1d4: {  	v23 =	vshll.u32 v23, $0x7  }
0x1d5: {  	v24 =	vld [tilespmem:s0+$0x9800];
	v25 =	vor.u32 v4, v23  }
0x1d6: {  	v27 =	vor.u32 v15, v23  }
0x1d7: {  	v28 =	vor.u32 v0, v23  }
0x1d8: {  	v29 =	vor.u32 v16, v23  }
0x1d9: {  	v36 =	vor.u32 v20, v23  }
0x1da: {  	v31 =	vadd.s32 $0x200, v24;
	v32 =	vor.u32 v21, v23;
	v25 =	vld.idx.msk [tilespmem:v25+s23+$0x0], $0xffff  }
0x1db: {  	v33 =	vadd.s32 $0x400, v24;
	v34 =	vor.u32 v26, v23;
	v27 =	vld.idx.msk [tilespmem:v27+s23+$0x0], $0xffff  }
0x1dc: {  	v23 =	vor.u32 v22, v23;
	v28 =	vld.idx.msk [tilespmem:v28+s23+$0x0], $0xffff  }
0x1dd: {  	v35 =	vadd.s32 $0x600, v24;
	v29 =	vld.idx.msk [tilespmem:v29+s23+$0x0], $0xffff  }
0x1de: {  	v30 =	vld.idx.msk [tilespmem:v36+s23+$0x0], $0xffff;
	v36 =	vadd.s32 $0x800, v24  }
0x1df: {  	[tilespmem:v31+s2+$0x0] =	vst.idx.msk $0xffff, v25;
	v25 =	vld.idx.msk [tilespmem:v32+s23+$0x0], $0xffff;
	v31 =	vadd.s32 $0xA00, v24  }
0x1e0: {  	[tilespmem:v33+s2+$0x0] =	vst.idx.msk $0xffff, v27;
	v27 =	vld.idx.msk [tilespmem:v34+s23+$0x0], $0xffff;
	v32 =	vadd.s32 $0xC00, v24  }
0x1e1: {  	p2 =	sne.s32 s5, $0x1E00;
	v23 =	vld.idx.msk [tilespmem:v23+s23+$0x0], $0xffff;
	[tilespmem:v24+s2+$0x0] =	vst.idx.msk $0xffff, v28;
	v24 =	vadd.s32 $0xE00, v24  }
.Ltmp5:
0x1e2: {  	[tilespmem:v35+s2+$0x0] =	vst.idx.msk $0xffff, v29;
	(pc) =	sbr.rel @p2 .LBB2_9-.Ltmp5, $4  }
0x1e3: {  	[tilespmem:v36+s2+$0x0] =	vst.idx.msk $0xffff, v30  }
0x1e4: {  	[tilespmem:v31+s2+$0x0] =	vst.idx.msk $0xffff, v25  }
0x1e5: {  	[tilespmem:v32+s2+$0x0] =	vst.idx.msk $0xffff, v27  }
0x1e6: {  	s5 =	sadd.s32 $0x200, s5;
	[tilespmem:v24+s2+$0x0] =	vst.idx.msk $0xffff, v23  }
0x1e7: {  	s8 =	sadd.s32 $0x1, s8  }
0x1e8: {  	p2 =	sne.s32 s8, $0x3D  }
.Ltmp6:
0x1e9: {  	s0 =	sadd.s32 @!p3 s17, s14;
	(pc) =	sbr.rel @p2 .LBB2_2-.Ltmp6, $4  }
0x1ea: {  	s1 =	simm.s32 @!p3 $0x400;
	s5 =	simm.s32 @!p3 $0x7A1400;
	s15 =	simm.s32 @!p3 $0x3000  }
0x1eb: {  	[tilespmem:s15], [sflag:$0x4] =	stream.strided.gather @!p3 [hbm4b:s0+s1], $0x1000, s5, s1, $0x38;
	[tilespmem:$0xA000] =	vst v63  }
0x1ec: {  	s18 =	sadd.s32 $0xC000, s18  }
0x1ed: {  	[hbm4b:s18+s4] =	stream.linear.scatter [tilespmem:s2], [sflag:$0x8], $0x1000, $0x38;
	[tilespmem:$0xA000] =	vst v63  }
0x1ee: {  	s0 =	simm.s32 $0x5  }
0x1ef: {  	_ =	swait.ge [sflag:s0], $0x1000  }
0x1f0: {  	[sflag:s0] =	ssyncset.done $0x0  }
0x1f1: {  	s17 =	simm.s32 $0x6;
	[sflag:s0] =	ssyncadd.s32 $0xFFFFF000  }
0x1f2: {  	_ =	swait.ge [sflag:s17], $0x1000  }
0x1f3: {  	[sflag:s17] =	ssyncset.done $0x0  }
0x1f4: {  	s18 =	simm.s32 $0x7;
	[sflag:s17] =	ssyncadd.s32 $0xFFFFF000  }
0x1f5: {  	_ =	swait.ge [sflag:s18], $0x1000  }
.Ltmp7:
0x1f6: {  	[sflag:s18] =	ssyncset.done $0x0;
	(pc) =	sbr.rel @p1 .LBB2_15-.Ltmp7, $4  }
0x1f7: {  	[sflag:s18] =	ssyncadd.s32 $0xFFFFF000  }
0x1f8: {  	_ =	swait.ge [sflag:s16], $0x1000  }
0x1f9: {  	[sflag:s16] =	ssyncset.done $0x0  }
0x1fa: {  	[sflag:s16] =	ssyncadd.s32 $0xFFFFF000  }
0x1fb: {  	s8 =	simm.s32 $0x0;
	s0 =	rddreg [dreg:$0x8]  }
0x1fc: {  	[tilespmem:s8], [sflag:$0x9] =	stream.strided.gather [hbm4b:s0+s19], $0x1000, s20, s19, $0x38;
	[tilespmem:$0xA000] =	vst v63  }
0x1fd: {  	_ =	swait.ge [sflag:s6], $0x1000  }
0x1fe: {  	[sflag:s6] =	ssyncset.done $0x0  }
0x1ff: {  	[sflag:s6] =	ssyncadd.s32 $0xFFFFF000  }
.LBB2_13:
0x200: {  	s0 =	sshra.s32 s8, $0x2  }
0x201: {  	v23 =	vld [tilespmem:s0+$0x8000];
	_ =	sdelay $0x4  }
0x202: {  	v23 =	vshll.u32 v23, $0x7  }
0x203: {  	v24 =	vor.u32 v0, v23  }
0x204: {  	v25 =	vld [tilespmem:s0+$0x9000];
	v27 =	vor.u32 v4, v23  }
0x205: {  	v28 =	vor.u32 v15, v23  }
0x206: {  	v29 =	vor.u32 v16, v23  }
0x207: {  	v30 =	vor.u32 v20, v23  }
0x208: {  	v31 =	vor.u32 v21, v23;
	v24 =	vld.idx.msk [tilespmem:v24+s4+$0x0], $0xffff  }
0x209: {  	v32 =	vadd.s32 $0x200, v25;
	v33 =	vor.u32 v26, v23;
	v27 =	vld.idx.msk [tilespmem:v27+s4+$0x0], $0xffff  }
0x20a: {  	v34 =	vadd.s32 $0x400, v25;
	v23 =	vor.u32 v22, v23;
	v28 =	vld.idx.msk [tilespmem:v28+s4+$0x0], $0xffff  }
0x20b: {  	v35 =	vadd.s32 $0x600, v25;
	v29 =	vld.idx.msk [tilespmem:v29+s4+$0x0], $0xffff  }
0x20c: {  	v36 =	vadd.s32 $0x800, v25;
	v30 =	vld.idx.msk [tilespmem:v30+s4+$0x0], $0xffff  }
0x20d: {  	[tilespmem:v25+s25+$0x0] =	vst.idx.msk $0xffff, v24;
	v24 =	vld.idx.msk [tilespmem:v31+s4+$0x0], $0xffff;
	v31 =	vadd.s32 $0xA00, v25  }
0x20e: {  	[tilespmem:v32+s25+$0x0] =	vst.idx.msk $0xffff, v27;
	v27 =	vld.idx.msk [tilespmem:v33+s4+$0x0], $0xffff;
	v32 =	vadd.s32 $0xC00, v25  }
0x20f: {  	v23 =	vld.idx.msk [tilespmem:v23+s4+$0x0], $0xffff;
	[tilespmem:v34+s25+$0x0] =	vst.idx.msk $0xffff, v28;
	v25 =	vadd.s32 $0xE00, v25  }
0x210: {  	[tilespmem:v35+s25+$0x0] =	vst.idx.msk $0xffff, v29  }
0x211: {  	[tilespmem:v36+s25+$0x0] =	vst.idx.msk $0xffff, v30  }
0x212: {  	[tilespmem:v31+s25+$0x0] =	vst.idx.msk $0xffff, v24  }
0x213: {  	[tilespmem:v32+s25+$0x0] =	vst.idx.msk $0xffff, v27  }
0x214: {  	[tilespmem:v25+s25+$0x0] =	vst.idx.msk $0xffff, v23  }
0x215: {  	v23 =	vld [tilespmem:s0+$0x8800];
	_ =	sdelay $0x4  }
0x216: {  	v23 =	vshll.u32 v23, $0x7  }
0x217: {  	v24 =	vld [tilespmem:s0+$0x9800];
	v25 =	vor.u32 v4, v23  }
0x218: {  	v27 =	vor.u32 v15, v23  }
0x219: {  	v28 =	vor.u32 v0, v23  }
0x21a: {  	v29 =	vor.u32 v16, v23  }
0x21b: {  	v36 =	vor.u32 v20, v23  }
0x21c: {  	v31 =	vadd.s32 $0x200, v24;
	v32 =	vor.u32 v21, v23;
	v25 =	vld.idx.msk [tilespmem:v25+s4+$0x0], $0xffff  }
0x21d: {  	v33 =	vadd.s32 $0x400, v24;
	v34 =	vor.u32 v26, v23;
	v27 =	vld.idx.msk [tilespmem:v27+s4+$0x0], $0xffff  }
0x21e: {  	v23 =	vor.u32 v22, v23;
	v28 =	vld.idx.msk [tilespmem:v28+s4+$0x0], $0xffff  }
0x21f: {  	v35 =	vadd.s32 $0x600, v24;
	v29 =	vld.idx.msk [tilespmem:v29+s4+$0x0], $0xffff  }
0x220: {  	v30 =	vld.idx.msk [tilespmem:v36+s4+$0x0], $0xffff;
	v36 =	vadd.s32 $0x800, v24  }
0x221: {  	[tilespmem:v31+s25+$0x0] =	vst.idx.msk $0xffff, v25;
	v25 =	vld.idx.msk [tilespmem:v32+s4+$0x0], $0xffff;
	v31 =	vadd.s32 $0xA00, v24  }
0x222: {  	[tilespmem:v33+s25+$0x0] =	vst.idx.msk $0xffff, v27;
	v27 =	vld.idx.msk [tilespmem:v34+s4+$0x0], $0xffff;
	v32 =	vadd.s32 $0xC00, v24  }
0x223: {  	p2 =	sne.s32 s8, $0x1E00;
	v23 =	vld.idx.msk [tilespmem:v23+s4+$0x0], $0xffff;
	[tilespmem:v24+s25+$0x0] =	vst.idx.msk $0xffff, v28;
	v24 =	vadd.s32 $0xE00, v24  }
.Ltmp8:
0x224: {  	[tilespmem:v35+s25+$0x0] =	vst.idx.msk $0xffff, v29;
	(pc) =	sbr.rel @p2 .LBB2_13-.Ltmp8, $4  }
0x225: {  	[tilespmem:v36+s25+$0x0] =	vst.idx.msk $0xffff, v30  }
0x226: {  	[tilespmem:v31+s25+$0x0] =	vst.idx.msk $0xffff, v25  }
0x227: {  	[tilespmem:v32+s25+$0x0] =	vst.idx.msk $0xffff, v27  }
0x228: {  	s8 =	sadd.s32 $0x200, s8;
	[tilespmem:v24+s25+$0x0] =	vst.idx.msk $0xffff, v23  }
.Ltmp9:
0x229: {  	s0 =	rddreg [dreg:$0x9];
	(pc) =	sbr.rel .LBB2_15-.Ltmp9, $4  }
0x22a: {  	[hbm4b:s0+s4] =	stream.linear.scatter [tilespmem:s25], [sflag:$0x9], $0x1000, $0x38;
	[tilespmem:$0xA000] =	vst v63  }
0x22b: {  	_ =	swait.ge [sflag:s6], $0x1000  }
0x22c: {  	[sflag:s6] =	ssyncset.done $0x0  }
0x22d: {  	[sflag:s6] =	ssyncadd.s32 $0xFFFFF000  }
.LBB2_16:
0x22e: {  	_ =	sfence.sel $0x180000  }
0x22f: {  	[bflag:$0x0] =	sbarrier.arrive $0xFFFF  }
0x230: {  	_ =	strace $0x90000047  }
0x231: {  	s0 =	stileid.u32;
	[bflag:$0x2] =	sbarrier.arrive $0xFFFF  }
0x232: {  	p0 =	sne.s32 s0, $0x0;
	s0 =	rddreg [dreg:$0x3]  }
0x233: {  	s0 =	sadd.s32 @!p0 $0x100000, s0  }
0x234: {  	[sflag:s0] =	ssyncadd.tile.s32 @!p0 $0x1;
	_ =	shalt  }
.Lfunc_end2:
_tile_overlayer_lowered:
.L_overlay_start_2:
0x235: {  	(tag) =	ssettag $0x2  }
0x236: {  	s0 =	rddreg [dreg:$0x0];
	s2 =	stileid.u32  }
0x237: {  	s1 =	rddreg [dreg:$0x1];
	p0 =	sne.s32 s2, $0x0  }
0x238: {  	s3 =	rddreg [dreg:$0x2];
	[bflag:$0x3] =	sbarrier.arrive $0xFFFF;
	s2 =	simm.s32 @!p0 $0x1C09  }
0x239: {  	[timem:s3], [sflag:s2] =	dma.local @!p0 [hbm:s0], s1  }
0x23a: {  	s0 =	simm.s32 @!p0 $0x9  }
0x23b: {  	_ =	swait.ge @!p0 [sflag:s0], s1  }
0x23c: {  	s1 =	ssub.s32 @!p0 $0x0, s1;
	[sflag:s0] =	ssyncset.done @!p0 $0x0  }
0x23d: {  	[sflag:s0] =	ssyncadd.s32 @!p0 s1  }
0x23e: {  	[bflag:$0x3] =	sbarrier.arrive $0xFFFF  }
0x23f: {  	_ =	shalt  }

</sc_bundles>
